<compile_context>
chip_gen: v7x
topology: tpu7x:2x2x1
jax: 0.10.2.dev20260603
libtpu: 0.0.44.dev20260713+nightly
codegen_flags: <defaults>
</compile_context>

<pallas_src>
import functools

import jax
import jax.numpy as jnp
from jax import lax
from jax.experimental import pallas as pl
from jax.experimental.pallas import tpu as pltpu
from jax.experimental.pallas import tpu_sc as plsc

N = 10000
E = 320000
D = 128

NC = 2
NS = 16
NW = NC * NS
CH = 32
EPW = 10240
NCHUNK = EPW // CH
SEG = 40
NSEG = NCHUNK // SEG
QUAD = 4
BODIES = SEG // QUAD
N_PAD = 10112
RPT = N_PAD // NS

_BLK = 1000


def _tc1_body(x_ref, wla_t, w1_t, wlb_t, w2_t, wra_t, wrb_t, bp_ref,
              ya_ref, yb_ref, base_ref):
    f32 = jnp.float32
    xb = x_ref[...]
    ma = jnp.dot(wla_t[...], w1_t[...], preferred_element_type=f32)
    mb = jnp.dot(wlb_t[...], w2_t[...], preferred_element_type=f32)
    mc = (jnp.dot(wra_t[...], w1_t[...], preferred_element_type=f32)
          + jnp.dot(wrb_t[...], w2_t[...], preferred_element_type=f32))
    ya_ref[...] = jnp.dot(xb, ma, preferred_element_type=f32)
    yb_ref[...] = jnp.dot(xb, mb, preferred_element_type=f32)
    base_ref[...] = jnp.dot(xb, mc, preferred_element_type=f32) + bp_ref[...]


def _tc1(x, wla_t, w1_t, wlb_t, w2_t, wra_t, wrb_t, bprime):
    full = pl.BlockSpec((D, D), lambda i: (0, 0))
    return pl.pallas_call(
        _tc1_body,
        grid=(N // _BLK,),
        in_specs=[
            pl.BlockSpec((_BLK, D), lambda i: (i, 0)),
            full, full, full, full, full, full,
            pl.BlockSpec((1, D), lambda i: (0, 0)),
        ],
        out_specs=[
            pl.BlockSpec((_BLK, D), lambda i: (i, 0)),
            pl.BlockSpec((_BLK, D), lambda i: (i, 0)),
            pl.BlockSpec((_BLK, D), lambda i: (i, 0)),
        ],
        out_shape=[
            jax.ShapeDtypeStruct((N, D), jnp.float32),
            jax.ShapeDtypeStruct((N, D), jnp.float32),
            jax.ShapeDtypeStruct((N, D), jnp.float32),
        ],
    )(x, wla_t, w1_t, wlb_t, w2_t, wra_t, wrb_t, bprime)


_MESH = plsc.VectorSubcoreMesh(core_axis_name="c", subcore_axis_name="s")


@functools.partial(
    pl.kernel,
    out_type=jax.ShapeDtypeStruct((NC, N_PAD, D), jnp.float32),
    mesh=_MESH,
    scratch_types=(
        [pltpu.VMEM_SHARED((N_PAD, D), jnp.float32)]
        + [pltpu.VMEM((SEG, CH), jnp.int32)] * 2
        + [pltpu.VMEM((QUAD, CH), jnp.int32)] * 2
        + [pltpu.VMEM((CH, D), jnp.float32)] * (2 * QUAD)
        + [pltpu.SemaphoreType.DMA] * (4 * QUAD)
    ),
)
def _sc_scatter(ya_hbm, yb_hbm, src_hbm, dst_hbm, zeros_hbm, out_hbm,
                acc, src_v, dst_v, mdst_v, msrc_v, *bufs):
    ra = bufs[0:QUAD]
    rb = bufs[QUAD:2 * QUAD]
    ga = bufs[2 * QUAD:3 * QUAD]
    gb = bufs[3 * QUAD:4 * QUAD]
    sa = bufs[4 * QUAD:5 * QUAD]
    sb = bufs[5 * QUAD:6 * QUAD]

    c = lax.axis_index("c")
    s = lax.axis_index("s")
    wid = s * NC + c

    pltpu.sync_copy(zeros_hbm.at[pl.ds(s * RPT, RPT)],
                    acc.at[pl.ds(s * RPT, RPT)])
    plsc.subcore_barrier()

    dummy = N + s

    def mask_chunk(jj, q):
        for k in range(CH // 16):
            sl = pl.ds(k * 16, 16)
            sv = src_v[jj, sl]
            dv = dst_v[jj, sl]
            m = sv == dv
            mdst_v[q, sl] = jnp.where(m, dummy, dv)
            msrc_v[q, sl] = jnp.where(m, dummy, sv)

    dummy_vec = jnp.zeros((16,), jnp.int32) + dummy
    for q in range(QUAD):
        for k in range(CH // 16):
            sl = pl.ds(k * 16, 16)
            mdst_v[q, sl] = dummy_vec
            msrc_v[q, sl] = dummy_vec
    for q in range(QUAD):
        pltpu.async_copy(ra[q], acc.at[mdst_v.at[q]], sa[q], add=True)
        pltpu.async_copy(rb[q], acc.at[msrc_v.at[q]], sb[q], add=True)

    def scat_wait(rows, ring, sem):
        pltpu.make_async_copy(rows, acc.at[ring], sem).wait()

    def quad(t, carry):
        j = QUAD * t
        da = []
        db = []
        for q in range(QUAD):
            scat_wait(ra[q], mdst_v.at[q], sa[q])
            da.append(pltpu.async_copy(ya_hbm.at[src_v.at[j + q]], ra[q], ga[q]))
            scat_wait(rb[q], msrc_v.at[q], sb[q])
            db.append(pltpu.async_copy(yb_hbm.at[dst_v.at[j + q]], rb[q], gb[q]))
            mask_chunk(j + q, q)
        for q in range(QUAD):
            da[q].wait()
            pltpu.async_copy(ra[q], acc.at[mdst_v.at[q]], sa[q], add=True)
            db[q].wait()
            pltpu.async_copy(rb[q], acc.at[msrc_v.at[q]], sb[q], add=True)
        return carry

    def segment(g, carry):
        pltpu.sync_copy(src_hbm.at[wid, pl.ds(g * SEG, SEG)], src_v)
        pltpu.sync_copy(dst_hbm.at[wid, pl.ds(g * SEG, SEG)], dst_v)
        return lax.fori_loop(0, BODIES, quad, carry)

    lax.fori_loop(0, NSEG, segment, 0)
    for q in range(QUAD):
        scat_wait(ra[q], mdst_v.at[q], sa[q])
        scat_wait(rb[q], msrc_v.at[q], sb[q])
    plsc.subcore_barrier()
    pltpu.sync_copy(acc.at[pl.ds(s * RPT, RPT)],
                    out_hbm.at[c, pl.ds(s * RPT, RPT)])


def _tc2_body(base_ref, a0_ref, a1_ref, out_ref):
    out_ref[...] = base_ref[...] + a0_ref[0] + a1_ref[0]


def _tc2(base, accs):
    spec = pl.BlockSpec((_BLK, D), lambda i: (i, 0))
    return pl.pallas_call(
        _tc2_body,
        grid=(N // _BLK,),
        in_specs=[
            spec,
            pl.BlockSpec((1, _BLK, D), lambda i: (0, i, 0)),
            pl.BlockSpec((1, _BLK, D), lambda i: (1, i, 0)),
        ],
        out_specs=spec,
        out_shape=jax.ShapeDtypeStruct((N, D), jnp.float32),
    )(base, accs, accs)


@jax.jit
def kernel(x, edge_index, Wl_a, bl_a, Wr_a, Wl_b, bl_b, Wr_b, W, b):
    w1 = W[:, :D]
    w2 = W[:, D:]
    bprime = (b + w1 @ bl_a + w2 @ bl_b)[None, :]

    ya, yb, base = _tc1(x, Wl_a.T, w1.T, Wl_b.T, w2.T, Wr_a.T, Wr_b.T, bprime)

    pad = jnp.broadcast_to(jnp.arange(EPW - E // NW, dtype=jnp.int32) * 97 % N,
                           (NW, EPW - E // NW))
    src = jnp.concatenate([edge_index[0].reshape(NW, E // NW), pad], axis=1)
    dst = jnp.concatenate([edge_index[1].reshape(NW, E // NW), pad], axis=1)
    src3 = src.reshape(NW, NCHUNK, CH)
    dst3 = dst.reshape(NW, NCHUNK, CH)
    zeros = jnp.zeros((N_PAD, D), jnp.float32)

    accs = _sc_scatter(ya, yb, src3, dst3, zeros)

    return _tc2(base, accs)

# --- scband reference (transcript-rebuilt; emitter-appended) ---
"""Pipeline reference for scband-conv-edge-type-20383914787325 (READ-ONLY COPY).

The authoritative reference and input builder live on the scoring server;
editing this copy changes nothing except your own understanding.
"""

import jax, jax.numpy as jnp
import numpy as np

N = 10000
E = 320000
D = 128


def setup_inputs(seed: int = 0) -> dict:
    key = jax.random.key(seed)
    ks = jax.random.split(key, 12)
    x = jax.random.normal(ks[0], (N, D), dtype=jnp.float32)
    edge_index = jax.random.randint(ks[1], (2, E), 0, N, dtype=jnp.int32)
    s = 1.0 / np.sqrt(D)
    # SAGEConv modelA (flow source_to_target): lin_l (with bias) on aggregated neighbors, lin_r (no bias) on root
    Wl_a = jax.random.normal(ks[2], (D, D), dtype=jnp.float32) * s
    bl_a = jnp.zeros((D,), dtype=jnp.float32)
    Wr_a = jax.random.normal(ks[3], (D, D), dtype=jnp.float32) * s
    # SAGEConv modelB (flow target_to_source)
    Wl_b = jax.random.normal(ks[4], (D, D), dtype=jnp.float32) * s
    bl_b = jnp.zeros((D,), dtype=jnp.float32)
    Wr_b = jax.random.normal(ks[5], (D, D), dtype=jnp.float32) * s
    # Final linear: in = 2*out_channels*n_edge_types = 256, out = 128
    W = jax.random.normal(ks[6], (D, 2 * D), dtype=jnp.float32) * (1.0 / np.sqrt(2 * D))
    b = jnp.zeros((D,), dtype=jnp.float32)
    return {"x": x, "edge_index": edge_index, "Wl_a": Wl_a, "bl_a": bl_a, "Wr_a": Wr_a,
            "Wl_b": Wl_b, "bl_b": bl_b, "Wr_b": Wr_b, "W": W, "b": b}


def reference(x, edge_index, Wl_a, bl_a, Wr_a, Wl_b, bl_b, Wr_b, W, b):
    src = edge_index[0]
    dst = edge_index[1]
    # remove_self_loops: exclude self-loop edges from aggregation (static-shape via mask)
    mask = (src != dst).astype(x.dtype)[:, None]
    # modelA: SAGEConv aggr='add', flow source_to_target -> aggregate x[src] at dst
    agg_a = jnp.zeros_like(x).at[dst].add(x[src] * mask)
    x1 = agg_a @ Wl_a.T + bl_a + x @ Wr_a.T
    # modelB: SAGEConv aggr='add', flow target_to_source -> aggregate x[dst] at src
    agg_b = jnp.zeros_like(x).at[src].add(x[dst] * mask)
    x2 = agg_b @ Wl_b.T + bl_b + x @ Wr_b.T
    emb = jnp.concatenate([x1, x2], axis=1)
    return emb @ W.T + b

if __name__ == "__main__":
    import jax
    _d = setup_inputs()
    print(jax.jit(kernel)(*tuple(_d.values())))

</pallas_src>

<mosaic_0001>
#map = affine_map<(d0, d1) -> (0, 0)>
#map1 = affine_map<(d0, d1) -> (0, 0, 0)>
module attributes {stable_mosaic.version = 14 : i64} {
  func.func @_sc_scatter(%arg0: i32, %arg1: i32, %arg2: memref<10000x128xf32, #tpu.memory_space<hbm>>, %arg3: memref<10000x128xf32, #tpu.memory_space<hbm>>, %arg4: memref<32x320x32xi32, #tpu.memory_space<hbm>>, %arg5: memref<32x320x32xi32, #tpu.memory_space<hbm>>, %arg6: memref<10112x128xf32, #tpu.memory_space<hbm>>, %arg7: memref<2x10112x128xf32, #tpu.memory_space<hbm>>, %arg8: memref<10112x128xf32, #tpu.memory_space<vmem_shared>>, %arg9: memref<40x32xi32, #tpu.memory_space<vmem>>, %arg10: memref<40x32xi32, #tpu.memory_space<vmem>>, %arg11: memref<4x32xi32, #tpu.memory_space<vmem>>, %arg12: memref<4x32xi32, #tpu.memory_space<vmem>>, %arg13: memref<32x128xf32, #tpu.memory_space<vmem>>, %arg14: memref<32x128xf32, #tpu.memory_space<vmem>>, %arg15: memref<32x128xf32, #tpu.memory_space<vmem>>, %arg16: memref<32x128xf32, #tpu.memory_space<vmem>>, %arg17: memref<32x128xf32, #tpu.memory_space<vmem>>, %arg18: memref<32x128xf32, #tpu.memory_space<vmem>>, %arg19: memref<32x128xf32, #tpu.memory_space<vmem>>, %arg20: memref<32x128xf32, #tpu.memory_space<vmem>>, %arg21: memref<!tpu.dma_semaphore, #tpu.memory_space<semaphore_mem>>, %arg22: memref<!tpu.dma_semaphore, #tpu.memory_space<semaphore_mem>>, %arg23: memref<!tpu.dma_semaphore, #tpu.memory_space<semaphore_mem>>, %arg24: memref<!tpu.dma_semaphore, #tpu.memory_space<semaphore_mem>>, %arg25: memref<!tpu.dma_semaphore, #tpu.memory_space<semaphore_mem>>, %arg26: memref<!tpu.dma_semaphore, #tpu.memory_space<semaphore_mem>>, %arg27: memref<!tpu.dma_semaphore, #tpu.memory_space<semaphore_mem>>, %arg28: memref<!tpu.dma_semaphore, #tpu.memory_space<semaphore_mem>>, %arg29: memref<!tpu.dma_semaphore, #tpu.memory_space<semaphore_mem>>, %arg30: memref<!tpu.dma_semaphore, #tpu.memory_space<semaphore_mem>>, %arg31: memref<!tpu.dma_semaphore, #tpu.memory_space<semaphore_mem>>, %arg32: memref<!tpu.dma_semaphore, #tpu.memory_space<semaphore_mem>>, %arg33: memref<!tpu.dma_semaphore, #tpu.memory_space<semaphore_mem>>, %arg34: memref<!tpu.dma_semaphore, #tpu.memory_space<semaphore_mem>>, %arg35: memref<!tpu.dma_semaphore, #tpu.memory_space<semaphore_mem>>, %arg36: memref<!tpu.dma_semaphore, #tpu.memory_space<semaphore_mem>>) attributes {dimension_semantics = [#tpu.dimension_semantics<core_parallel>, #tpu.dimension_semantics<subcore_parallel>], iteration_bounds = array<i64: 2, 16>, scalar_prefetch = 0 : i64, scratch_operands = 29 : i64, tpu.core_type = #tpu.core_type<sc_vector_subcore>, window_params = [{transform_indices = #map}, {transform_indices = #map}, {transform_indices = #map1}, {transform_indices = #map1}, {transform_indices = #map}, {transform_indices = #map1}]} {
    %mul3A = arith.constant 2 : i32
    %mul3A_0 = arith.muli %arg1, %mul3A : i32
    %add3A = arith.addi %mul3A_0, %arg0 : i32
    %mul3A_1 = arith.constant 632 : i32
    %mul3A_2 = arith.muli %arg1, %mul3A_1 : i32
    %mul3A_3 = arith.constant 632 : i32
    %mul3A_4 = arith.muli %arg1, %mul3A_3 : i32
    "tpu.region"() ({
      %run_scoped3A = tpu.sem_alloc : memref<!tpu.dma_semaphore, #tpu.memory_space<semaphore_mem>>
      %dma_start3A_225 = arith.constant 0 : i32
      %dma_start3A_226 = tpu.memref_slice %arg8[%mul3A_4, %dma_start3A_225] : memref<10112x128xf32, #tpu.memory_space<vmem_shared>> -> memref<632x128xf32, #tpu.memory_space<vmem_shared>>
      %dma_start3A_227 = arith.constant 0 : i32
      %dma_start3A_228 = tpu.memref_slice %arg6[%mul3A_2, %dma_start3A_227] : memref<10112x128xf32, #tpu.memory_space<hbm>> -> memref<632x128xf32, #tpu.memory_space<hbm>>
      tpu.enqueue_dma source(%dma_start3A_228 : memref<632x128xf32, #tpu.memory_space<hbm>>) target(%dma_start3A_226 : memref<632x128xf32, #tpu.memory_space<vmem_shared>>) target_semaphore(%run_scoped3A : memref<!tpu.dma_semaphore, #tpu.memory_space<semaphore_mem>>)
      %dma_wait3A_229 = arith.constant 0 : i32
      %dma_wait3A_230 = tpu.memref_slice %arg8[%mul3A_4, %dma_wait3A_229] : memref<10112x128xf32, #tpu.memory_space<vmem_shared>> -> memref<632x128xf32, #tpu.memory_space<vmem_shared>>
      %dma_wait3A_231 = arith.constant 0 : i32
      %dma_wait3A_232 = tpu.memref_slice %arg6[%mul3A_2, %dma_wait3A_231] : memref<10112x128xf32, #tpu.memory_space<hbm>> -> memref<632x128xf32, #tpu.memory_space<hbm>>
      tpu.wait_dma2 semaphore(%run_scoped3A : memref<!tpu.dma_semaphore, #tpu.memory_space<semaphore_mem>>) src(%dma_wait3A_232 : memref<632x128xf32, #tpu.memory_space<hbm>>) dst(%dma_wait3A_230 : memref<632x128xf32, #tpu.memory_space<vmem_shared>>)
      tpu.yield
    }) : () -> ()
    %barrier3A = arith.constant 0 : index
    tpu.barrier barrier_id(%barrier3A)
    %add3A_5 = arith.constant 10000 : i32
    %add3A_6 = arith.addi %add3A_5, %arg1 : i32
    %broadcast_in_dim3A = arith.constant 0 : i32
    %broadcast_in_dim3A_7 = vector.broadcast %broadcast_in_dim3A : i32 to vector<16xi32>
    %add3A_8 = vector.broadcast %add3A_6 : i32 to vector<16xi32>
    %add3A_9 = arith.addi %broadcast_in_dim3A_7, %add3A_8 : vector<16xi32>
    %swap3A = arith.constant 0 : i32
    %swap3A_10 = arith.index_cast %swap3A : i32 to index
    %swap3A_11 = arith.constant 0 : index
    %swap3A_12 = tpu.vector_load %arg11[%swap3A_10, %swap3A_11] {strides = array<i32>} : memref<4x32xi32, #tpu.memory_space<vmem>>, vector<1x16xi32>,
    %swap3A_13 = vector.shape_cast %swap3A_12 : vector<1x16xi32> to vector<16xi32>
    %swap3A_14 = vector.shape_cast %add3A_9 : vector<16xi32> to vector<1x16xi32>
    tpu.vector_store %arg11[%swap3A_10, %swap3A_11], %swap3A_14 {strides = array<i32>} : memref<4x32xi32, #tpu.memory_space<vmem>>, vector<1x16xi32>,
    %swap3A_15 = arith.constant 0 : i32
    %swap3A_16 = arith.index_cast %swap3A_15 : i32 to index
    %swap3A_17 = arith.constant 0 : index
    %swap3A_18 = tpu.vector_load %arg12[%swap3A_16, %swap3A_17] {strides = array<i32>} : memref<4x32xi32, #tpu.memory_space<vmem>>, vector<1x16xi32>,
    %swap3A_19 = vector.shape_cast %swap3A_18 : vector<1x16xi32> to vector<16xi32>
    %swap3A_20 = vector.shape_cast %add3A_9 : vector<16xi32> to vector<1x16xi32>
    tpu.vector_store %arg12[%swap3A_16, %swap3A_17], %swap3A_20 {strides = array<i32>} : memref<4x32xi32, #tpu.memory_space<vmem>>, vector<1x16xi32>,
    %swap3A_21 = arith.constant 0 : i32
    %swap3A_22 = arith.index_cast %swap3A_21 : i32 to index
    %swap3A_23 = arith.constant 16 : index
    %swap3A_24 = tpu.vector_load %arg11[%swap3A_22, %swap3A_23] {strides = array<i32>} : memref<4x32xi32, #tpu.memory_space<vmem>>, vector<1x16xi32>,
    %swap3A_25 = vector.shape_cast %swap3A_24 : vector<1x16xi32> to vector<16xi32>
    %swap3A_26 = vector.shape_cast %add3A_9 : vector<16xi32> to vector<1x16xi32>
    tpu.vector_store %arg11[%swap3A_22, %swap3A_23], %swap3A_26 {strides = array<i32>} : memref<4x32xi32, #tpu.memory_space<vmem>>, vector<1x16xi32>,
    %swap3A_27 = arith.constant 0 : i32
    %swap3A_28 = arith.index_cast %swap3A_27 : i32 to index
    %swap3A_29 = arith.constant 16 : index
    %swap3A_30 = tpu.vector_load %arg12[%swap3A_28, %swap3A_29] {strides = array<i32>} : memref<4x32xi32, #tpu.memory_space<vmem>>, vector<1x16xi32>,
    %swap3A_31 = vector.shape_cast %swap3A_30 : vector<1x16xi32> to vector<16xi32>
    %swap3A_32 = vector.shape_cast %add3A_9 : vector<16xi32> to vector<1x16xi32>
    tpu.vector_store %arg12[%swap3A_28, %swap3A_29], %swap3A_32 {strides = array<i32>} : memref<4x32xi32, #tpu.memory_space<vmem>>, vector<1x16xi32>,
    %swap3A_33 = arith.constant 1 : i32
    %swap3A_34 = arith.index_cast %swap3A_33 : i32 to index
    %swap3A_35 = arith.constant 0 : index
    %swap3A_36 = tpu.vector_load %arg11[%swap3A_34, %swap3A_35] {strides = array<i32>} : memref<4x32xi32, #tpu.memory_space<vmem>>, vector<1x16xi32>,
    %swap3A_37 = vector.shape_cast %swap3A_36 : vector<1x16xi32> to vector<16xi32>
    %swap3A_38 = vector.shape_cast %add3A_9 : vector<16xi32> to vector<1x16xi32>
    tpu.vector_store %arg11[%swap3A_34, %swap3A_35], %swap3A_38 {strides = array<i32>} : memref<4x32xi32, #tpu.memory_space<vmem>>, vector<1x16xi32>,
    %swap3A_39 = arith.constant 1 : i32
    %swap3A_40 = arith.index_cast %swap3A_39 : i32 to index
    %swap3A_41 = arith.constant 0 : index
    %swap3A_42 = tpu.vector_load %arg12[%swap3A_40, %swap3A_41] {strides = array<i32>} : memref<4x32xi32, #tpu.memory_space<vmem>>, vector<1x16xi32>,
    %swap3A_43 = vector.shape_cast %swap3A_42 : vector<1x16xi32> to vector<16xi32>
    %swap3A_44 = vector.shape_cast %add3A_9 : vector<16xi32> to vector<1x16xi32>
    tpu.vector_store %arg12[%swap3A_40, %swap3A_41], %swap3A_44 {strides = array<i32>} : memref<4x32xi32, #tpu.memory_space<vmem>>, vector<1x16xi32>,
    %swap3A_45 = arith.constant 1 : i32
    %swap3A_46 = arith.index_cast %swap3A_45 : i32 to index
    %swap3A_47 = arith.constant 16 : index
    %swap3A_48 = tpu.vector_load %arg11[%swap3A_46, %swap3A_47] {strides = array<i32>} : memref<4x32xi32, #tpu.memory_space<vmem>>, vector<1x16xi32>,
    %swap3A_49 = vector.shape_cast %swap3A_48 : vector<1x16xi32> to vector<16xi32>
    %swap3A_50 = vector.shape_cast %add3A_9 : vector<16xi32> to vector<1x16xi32>
    tpu.vector_store %arg11[%swap3A_46, %swap3A_47], %swap3A_50 {strides = array<i32>} : memref<4x32xi32, #tpu.memory_space<vmem>>, vector<1x16xi32>,
    %swap3A_51 = arith.constant 1 : i32
    %swap3A_52 = arith.index_cast %swap3A_51 : i32 to index
    %swap3A_53 = arith.constant 16 : index
    %swap3A_54 = tpu.vector_load %arg12[%swap3A_52, %swap3A_53] {strides = array<i32>} : memref<4x32xi32, #tpu.memory_space<vmem>>, vector<1x16xi32>,
    %swap3A_55 = vector.shape_cast %swap3A_54 : vector<1x16xi32> to vector<16xi32>
    %swap3A_56 = vector.shape_cast %add3A_9 : vector<16xi32> to vector<1x16xi32>
    tpu.vector_store %arg12[%swap3A_52, %swap3A_53], %swap3A_56 {strides = array<i32>} : memref<4x32xi32, #tpu.memory_space<vmem>>, vector<1x16xi32>,
    %swap3A_57 = arith.constant 2 : i32
    %swap3A_58 = arith.index_cast %swap3A_57 : i32 to index
    %swap3A_59 = arith.constant 0 : index
    %swap3A_60 = tpu.vector_load %arg11[%swap3A_58, %swap3A_59] {strides = array<i32>} : memref<4x32xi32, #tpu.memory_space<vmem>>, vector<1x16xi32>,
    %swap3A_61 = vector.shape_cast %swap3A_60 : vector<1x16xi32> to vector<16xi32>
    %swap3A_62 = vector.shape_cast %add3A_9 : vector<16xi32> to vector<1x16xi32>
    tpu.vector_store %arg11[%swap3A_58, %swap3A_59], %swap3A_62 {strides = array<i32>} : memref<4x32xi32, #tpu.memory_space<vmem>>, vector<1x16xi32>,
    %swap3A_63 = arith.constant 2 : i32
    %swap3A_64 = arith.index_cast %swap3A_63 : i32 to index
    %swap3A_65 = arith.constant 0 : index
    %swap3A_66 = tpu.vector_load %arg12[%swap3A_64, %swap3A_65] {strides = array<i32>} : memref<4x32xi32, #tpu.memory_space<vmem>>, vector<1x16xi32>,
    %swap3A_67 = vector.shape_cast %swap3A_66 : vector<1x16xi32> to vector<16xi32>
    %swap3A_68 = vector.shape_cast %add3A_9 : vector<16xi32> to vector<1x16xi32>
    tpu.vector_store %arg12[%swap3A_64, %swap3A_65], %swap3A_68 {strides = array<i32>} : memref<4x32xi32, #tpu.memory_space<vmem>>, vector<1x16xi32>,
    %swap3A_69 = arith.constant 2 : i32
    %swap3A_70 = arith.index_cast %swap3A_69 : i32 to index
    %swap3A_71 = arith.constant 16 : index
    %swap3A_72 = tpu.vector_load %arg11[%swap3A_70, %swap3A_71] {strides = array<i32>} : memref<4x32xi32, #tpu.memory_space<vmem>>, vector<1x16xi32>,
    %swap3A_73 = vector.shape_cast %swap3A_72 : vector<1x16xi32> to vector<16xi32>
    %swap3A_74 = vector.shape_cast %add3A_9 : vector<16xi32> to vector<1x16xi32>
    tpu.vector_store %arg11[%swap3A_70, %swap3A_71], %swap3A_74 {strides = array<i32>} : memref<4x32xi32, #tpu.memory_space<vmem>>, vector<1x16xi32>,
    %swap3A_75 = arith.constant 2 : i32
    %swap3A_76 = arith.index_cast %swap3A_75 : i32 to index
    %swap3A_77 = arith.constant 16 : index
    %swap3A_78 = tpu.vector_load %arg12[%swap3A_76, %swap3A_77] {strides = array<i32>} : memref<4x32xi32, #tpu.memory_space<vmem>>, vector<1x16xi32>,
    %swap3A_79 = vector.shape_cast %swap3A_78 : vector<1x16xi32> to vector<16xi32>
    %swap3A_80 = vector.shape_cast %add3A_9 : vector<16xi32> to vector<1x16xi32>
    tpu.vector_store %arg12[%swap3A_76, %swap3A_77], %swap3A_80 {strides = array<i32>} : memref<4x32xi32, #tpu.memory_space<vmem>>, vector<1x16xi32>,
    %swap3A_81 = arith.constant 3 : i32
    %swap3A_82 = arith.index_cast %swap3A_81 : i32 to index
    %swap3A_83 = arith.constant 0 : index
    %swap3A_84 = tpu.vector_load %arg11[%swap3A_82, %swap3A_83] {strides = array<i32>} : memref<4x32xi32, #tpu.memory_space<vmem>>, vector<1x16xi32>,
    %swap3A_85 = vector.shape_cast %swap3A_84 : vector<1x16xi32> to vector<16xi32>
    %swap3A_86 = vector.shape_cast %add3A_9 : vector<16xi32> to vector<1x16xi32>
    tpu.vector_store %arg11[%swap3A_82, %swap3A_83], %swap3A_86 {strides = array<i32>} : memref<4x32xi32, #tpu.memory_space<vmem>>, vector<1x16xi32>,
    %swap3A_87 = arith.constant 3 : i32
    %swap3A_88 = arith.index_cast %swap3A_87 : i32 to index
    %swap3A_89 = arith.constant 0 : index
    %swap3A_90 = tpu.vector_load %arg12[%swap3A_88, %swap3A_89] {strides = array<i32>} : memref<4x32xi32, #tpu.memory_space<vmem>>, vector<1x16xi32>,
    %swap3A_91 = vector.shape_cast %swap3A_90 : vector<1x16xi32> to vector<16xi32>
    %swap3A_92 = vector.shape_cast %add3A_9 : vector<16xi32> to vector<1x16xi32>
    tpu.vector_store %arg12[%swap3A_88, %swap3A_89], %swap3A_92 {strides = array<i32>} : memref<4x32xi32, #tpu.memory_space<vmem>>, vector<1x16xi32>,
    %swap3A_93 = arith.constant 3 : i32
    %swap3A_94 = arith.index_cast %swap3A_93 : i32 to index
    %swap3A_95 = arith.constant 16 : index
    %swap3A_96 = tpu.vector_load %arg11[%swap3A_94, %swap3A_95] {strides = array<i32>} : memref<4x32xi32, #tpu.memory_space<vmem>>, vector<1x16xi32>,
    %swap3A_97 = vector.shape_cast %swap3A_96 : vector<1x16xi32> to vector<16xi32>
    %swap3A_98 = vector.shape_cast %add3A_9 : vector<16xi32> to vector<1x16xi32>
    tpu.vector_store %arg11[%swap3A_94, %swap3A_95], %swap3A_98 {strides = array<i32>} : memref<4x32xi32, #tpu.memory_space<vmem>>, vector<1x16xi32>,
    %swap3A_99 = arith.constant 3 : i32
    %swap3A_100 = arith.index_cast %swap3A_99 : i32 to index
    %swap3A_101 = arith.constant 16 : index
    %swap3A_102 = tpu.vector_load %arg12[%swap3A_100, %swap3A_101] {strides = array<i32>} : memref<4x32xi32, #tpu.memory_space<vmem>>, vector<1x16xi32>,
    %swap3A_103 = vector.shape_cast %swap3A_102 : vector<1x16xi32> to vector<16xi32>
    %swap3A_104 = vector.shape_cast %add3A_9 : vector<16xi32> to vector<1x16xi32>
    tpu.vector_store %arg12[%swap3A_100, %swap3A_101], %swap3A_104 {strides = array<i32>} : memref<4x32xi32, #tpu.memory_space<vmem>>, vector<1x16xi32>,
    %dma_start3A = arith.constant 0 : i32
    %dma_start3A_105 = arith.constant 0 : i32
    %dma_start3A_106 = tpu.memref_slice %arg11[%dma_start3A, %dma_start3A_105] : memref<4x32xi32, #tpu.memory_space<vmem>> -> memref<1x32xi32, #tpu.memory_space<vmem>>
    %dma_start3A_107 = tpu.memref_squeeze %dma_start3A_106 : memref<1x32xi32, #tpu.memory_space<vmem>> -> memref<32xi32, #tpu.memory_space<vmem>>
    %dma_start3A_108 = arith.constant 0 : i32
    %dma_start3A_109 = arith.constant 0 : i32
    %dma_start3A_110 = tpu.memref_slice %arg8[%dma_start3A_108, %dma_start3A_109] : memref<10112x128xf32, #tpu.memory_space<vmem_shared>> -> memref<10112x128xf32, #tpu.memory_space<vmem_shared>>
    tpu.enqueue_indirect_dma source(%arg13 : memref<32x128xf32, #tpu.memory_space<vmem>>) target(%dma_start3A_110 : memref<10112x128xf32, #tpu.memory_space<vmem_shared>>) offsets(%dma_start3A_107 : memref<32xi32, #tpu.memory_space<vmem>>) semaphore(%arg29 : memref<!tpu.dma_semaphore, #tpu.memory_space<semaphore_mem>>) {add = true}
    %dma_start3A_111 = arith.constant 0 : i32
    %dma_start3A_112 = arith.constant 0 : i32
    %dma_start3A_113 = tpu.memref_slice %arg12[%dma_start3A_111, %dma_start3A_112] : memref<4x32xi32, #tpu.memory_space<vmem>> -> memref<1x32xi32, #tpu.memory_space<vmem>>
    %dma_start3A_114 = tpu.memref_squeeze %dma_start3A_113 : memref<1x32xi32, #tpu.memory_space<vmem>> -> memref<32xi32, #tpu.memory_space<vmem>>
    %dma_start3A_115 = arith.constant 0 : i32
    %dma_start3A_116 = arith.constant 0 : i32
    %dma_start3A_117 = tpu.memref_slice %arg8[%dma_start3A_115, %dma_start3A_116] : memref<10112x128xf32, #tpu.memory_space<vmem_shared>> -> memref<10112x128xf32, #tpu.memory_space<vmem_shared>>
    tpu.enqueue_indirect_dma source(%arg17 : memref<32x128xf32, #tpu.memory_space<vmem>>) target(%dma_start3A_117 : memref<10112x128xf32, #tpu.memory_space<vmem_shared>>) offsets(%dma_start3A_114 : memref<32xi32, #tpu.memory_space<vmem>>) semaphore(%arg33 : memref<!tpu.dma_semaphore, #tpu.memory_space<semaphore_mem>>) {add = true}
    %dma_start3A_118 = arith.constant 1 : i32
    %dma_start3A_119 = arith.constant 0 : i32
    %dma_start3A_120 = tpu.memref_slice %arg11[%dma_start3A_118, %dma_start3A_119] : memref<4x32xi32, #tpu.memory_space<vmem>> -> memref<1x32xi32, #tpu.memory_space<vmem>>
    %dma_start3A_121 = tpu.memref_squeeze %dma_start3A_120 : memref<1x32xi32, #tpu.memory_space<vmem>> -> memref<32xi32, #tpu.memory_space<vmem>>
    %dma_start3A_122 = arith.constant 0 : i32
    %dma_start3A_123 = arith.constant 0 : i32
    %dma_start3A_124 = tpu.memref_slice %arg8[%dma_start3A_122, %dma_start3A_123] : memref<10112x128xf32, #tpu.memory_space<vmem_shared>> -> memref<10112x128xf32, #tpu.memory_space<vmem_shared>>
    tpu.enqueue_indirect_dma source(%arg14 : memref<32x128xf32, #tpu.memory_space<vmem>>) target(%dma_start3A_124 : memref<10112x128xf32, #tpu.memory_space<vmem_shared>>) offsets(%dma_start3A_121 : memref<32xi32, #tpu.memory_space<vmem>>) semaphore(%arg30 : memref<!tpu.dma_semaphore, #tpu.memory_space<semaphore_mem>>) {add = true}
    %dma_start3A_125 = arith.constant 1 : i32
    %dma_start3A_126 = arith.constant 0 : i32
    %dma_start3A_127 = tpu.memref_slice %arg12[%dma_start3A_125, %dma_start3A_126] : memref<4x32xi32, #tpu.memory_space<vmem>> -> memref<1x32xi32, #tpu.memory_space<vmem>>
    %dma_start3A_128 = tpu.memref_squeeze %dma_start3A_127 : memref<1x32xi32, #tpu.memory_space<vmem>> -> memref<32xi32, #tpu.memory_space<vmem>>
    %dma_start3A_129 = arith.constant 0 : i32
    %dma_start3A_130 = arith.constant 0 : i32
    %dma_start3A_131 = tpu.memref_slice %arg8[%dma_start3A_129, %dma_start3A_130] : memref<10112x128xf32, #tpu.memory_space<vmem_shared>> -> memref<10112x128xf32, #tpu.memory_space<vmem_shared>>
    tpu.enqueue_indirect_dma source(%arg18 : memref<32x128xf32, #tpu.memory_space<vmem>>) target(%dma_start3A_131 : memref<10112x128xf32, #tpu.memory_space<vmem_shared>>) offsets(%dma_start3A_128 : memref<32xi32, #tpu.memory_space<vmem>>) semaphore(%arg34 : memref<!tpu.dma_semaphore, #tpu.memory_space<semaphore_mem>>) {add = true}
    %dma_start3A_132 = arith.constant 2 : i32
    %dma_start3A_133 = arith.constant 0 : i32
    %dma_start3A_134 = tpu.memref_slice %arg11[%dma_start3A_132, %dma_start3A_133] : memref<4x32xi32, #tpu.memory_space<vmem>> -> memref<1x32xi32, #tpu.memory_space<vmem>>
    %dma_start3A_135 = tpu.memref_squeeze %dma_start3A_134 : memref<1x32xi32, #tpu.memory_space<vmem>> -> memref<32xi32, #tpu.memory_space<vmem>>
    %dma_start3A_136 = arith.constant 0 : i32
    %dma_start3A_137 = arith.constant 0 : i32
    %dma_start3A_138 = tpu.memref_slice %arg8[%dma_start3A_136, %dma_start3A_137] : memref<10112x128xf32, #tpu.memory_space<vmem_shared>> -> memref<10112x128xf32, #tpu.memory_space<vmem_shared>>
    tpu.enqueue_indirect_dma source(%arg15 : memref<32x128xf32, #tpu.memory_space<vmem>>) target(%dma_start3A_138 : memref<10112x128xf32, #tpu.memory_space<vmem_shared>>) offsets(%dma_start3A_135 : memref<32xi32, #tpu.memory_space<vmem>>) semaphore(%arg31 : memref<!tpu.dma_semaphore, #tpu.memory_space<semaphore_mem>>) {add = true}
    %dma_start3A_139 = arith.constant 2 : i32
    %dma_start3A_140 = arith.constant 0 : i32
    %dma_start3A_141 = tpu.memref_slice %arg12[%dma_start3A_139, %dma_start3A_140] : memref<4x32xi32, #tpu.memory_space<vmem>> -> memref<1x32xi32, #tpu.memory_space<vmem>>
    %dma_start3A_142 = tpu.memref_squeeze %dma_start3A_141 : memref<1x32xi32, #tpu.memory_space<vmem>> -> memref<32xi32, #tpu.memory_space<vmem>>
    %dma_start3A_143 = arith.constant 0 : i32
    %dma_start3A_144 = arith.constant 0 : i32
    %dma_start3A_145 = tpu.memref_slice %arg8[%dma_start3A_143, %dma_start3A_144] : memref<10112x128xf32, #tpu.memory_space<vmem_shared>> -> memref<10112x128xf32, #tpu.memory_space<vmem_shared>>
    tpu.enqueue_indirect_dma source(%arg19 : memref<32x128xf32, #tpu.memory_space<vmem>>) target(%dma_start3A_145 : memref<10112x128xf32, #tpu.memory_space<vmem_shared>>) offsets(%dma_start3A_142 : memref<32xi32, #tpu.memory_space<vmem>>) semaphore(%arg35 : memref<!tpu.dma_semaphore, #tpu.memory_space<semaphore_mem>>) {add = true}
    %dma_start3A_146 = arith.constant 3 : i32
    %dma_start3A_147 = arith.constant 0 : i32
    %dma_start3A_148 = tpu.memref_slice %arg11[%dma_start3A_146, %dma_start3A_147] : memref<4x32xi32, #tpu.memory_space<vmem>> -> memref<1x32xi32, #tpu.memory_space<vmem>>
    %dma_start3A_149 = tpu.memref_squeeze %dma_start3A_148 : memref<1x32xi32, #tpu.memory_space<vmem>> -> memref<32xi32, #tpu.memory_space<vmem>>
    %dma_start3A_150 = arith.constant 0 : i32
    %dma_start3A_151 = arith.constant 0 : i32
    %dma_start3A_152 = tpu.memref_slice %arg8[%dma_start3A_150, %dma_start3A_151] : memref<10112x128xf32, #tpu.memory_space<vmem_shared>> -> memref<10112x128xf32, #tpu.memory_space<vmem_shared>>
    tpu.enqueue_indirect_dma source(%arg16 : memref<32x128xf32, #tpu.memory_space<vmem>>) target(%dma_start3A_152 : memref<10112x128xf32, #tpu.memory_space<vmem_shared>>) offsets(%dma_start3A_149 : memref<32xi32, #tpu.memory_space<vmem>>) semaphore(%arg32 : memref<!tpu.dma_semaphore, #tpu.memory_space<semaphore_mem>>) {add = true}
    %dma_start3A_153 = arith.constant 3 : i32
    %dma_start3A_154 = arith.constant 0 : i32
    %dma_start3A_155 = tpu.memref_slice %arg12[%dma_start3A_153, %dma_start3A_154] : memref<4x32xi32, #tpu.memory_space<vmem>> -> memref<1x32xi32, #tpu.memory_space<vmem>>
    %dma_start3A_156 = tpu.memref_squeeze %dma_start3A_155 : memref<1x32xi32, #tpu.memory_space<vmem>> -> memref<32xi32, #tpu.memory_space<vmem>>
    %dma_start3A_157 = arith.constant 0 : i32
    %dma_start3A_158 = arith.constant 0 : i32
    %dma_start3A_159 = tpu.memref_slice %arg8[%dma_start3A_157, %dma_start3A_158] : memref<10112x128xf32, #tpu.memory_space<vmem_shared>> -> memref<10112x128xf32, #tpu.memory_space<vmem_shared>>
    tpu.enqueue_indirect_dma source(%arg20 : memref<32x128xf32, #tpu.memory_space<vmem>>) target(%dma_start3A_159 : memref<10112x128xf32, #tpu.memory_space<vmem_shared>>) offsets(%dma_start3A_156 : memref<32xi32, #tpu.memory_space<vmem>>) semaphore(%arg36 : memref<!tpu.dma_semaphore, #tpu.memory_space<semaphore_mem>>) {add = true}
    %scan3A = arith.constant 0 : i32
    %scan3A_160 = arith.constant 0 : i32
    %scan3A_161 = arith.constant 8 : i32
    %scan3A_162 = arith.addi %scan3A_160, %scan3A_161 : i32
    %scan3A_163 = arith.constant 1 : i32
    scf.for %scan3A_225 = %scan3A_160 to %scan3A_162 step %scan3A_163  : i32 {
      %mul3A_226 = arith.constant 40 : i32
      %mul3A_227 = arith.muli %scan3A_225, %mul3A_226 : i32
      "tpu.region"() ({
        %run_scoped3A = tpu.sem_alloc : memref<!tpu.dma_semaphore, #tpu.memory_space<semaphore_mem>>
        %dma_start3A_235 = arith.constant 0 : i32
        %dma_start3A_236 = tpu.memref_slice %arg4[%add3A, %mul3A_227, %dma_start3A_235] : memref<32x320x32xi32, #tpu.memory_space<hbm>> -> memref<1x40x32xi32, #tpu.memory_space<hbm>>
        %dma_start3A_237 = tpu.memref_squeeze %dma_start3A_236 : memref<1x40x32xi32, #tpu.memory_space<hbm>> -> memref<40x32xi32, #tpu.memory_space<hbm>>
        %dma_start3A_238 = arith.constant 0 : i32
        %dma_start3A_239 = tpu.memref_slice %arg4[%add3A, %mul3A_227, %dma_start3A_238] : memref<32x320x32xi32, #tpu.memory_space<hbm>> -> memref<1x40x32xi32, #tpu.memory_space<hbm>>
        %dma_start3A_240 = tpu.memref_squeeze %dma_start3A_239 : memref<1x40x32xi32, #tpu.memory_space<hbm>> -> memref<40x32xi32, #tpu.memory_space<hbm>>
        tpu.enqueue_dma source(%dma_start3A_240 : memref<40x32xi32, #tpu.memory_space<hbm>>) target(%arg9 : memref<40x32xi32, #tpu.memory_space<vmem>>) target_semaphore(%run_scoped3A : memref<!tpu.dma_semaphore, #tpu.memory_space<semaphore_mem>>)
        %dma_wait3A_241 = arith.constant 0 : i32
        %dma_wait3A_242 = tpu.memref_slice %arg4[%add3A, %mul3A_227, %dma_wait3A_241] : memref<32x320x32xi32, #tpu.memory_space<hbm>> -> memref<1x40x32xi32, #tpu.memory_space<hbm>>
        %dma_wait3A_243 = tpu.memref_squeeze %dma_wait3A_242 : memref<1x40x32xi32, #tpu.memory_space<hbm>> -> memref<40x32xi32, #tpu.memory_space<hbm>>
        %dma_wait3A_244 = arith.constant 0 : i32
        %dma_wait3A_245 = tpu.memref_slice %arg4[%add3A, %mul3A_227, %dma_wait3A_244] : memref<32x320x32xi32, #tpu.memory_space<hbm>> -> memref<1x40x32xi32, #tpu.memory_space<hbm>>
        %dma_wait3A_246 = tpu.memref_squeeze %dma_wait3A_245 : memref<1x40x32xi32, #tpu.memory_space<hbm>> -> memref<40x32xi32, #tpu.memory_space<hbm>>
        tpu.wait_dma2 semaphore(%run_scoped3A : memref<!tpu.dma_semaphore, #tpu.memory_space<semaphore_mem>>) src(%dma_wait3A_246 : memref<40x32xi32, #tpu.memory_space<hbm>>) dst(%arg9 : memref<40x32xi32, #tpu.memory_space<vmem>>)
        tpu.yield
      }) : () -> ()
      %mul3A_228 = arith.constant 40 : i32
      %mul3A_229 = arith.muli %scan3A_225, %mul3A_228 : i32
      "tpu.region"() ({
        %run_scoped3A = tpu.sem_alloc : memref<!tpu.dma_semaphore, #tpu.memory_space<semaphore_mem>>
        %dma_start3A_235 = arith.constant 0 : i32
        %dma_start3A_236 = tpu.memref_slice %arg5[%add3A, %mul3A_229, %dma_start3A_235] : memref<32x320x32xi32, #tpu.memory_space<hbm>> -> memref<1x40x32xi32, #tpu.memory_space<hbm>>
        %dma_start3A_237 = tpu.memref_squeeze %dma_start3A_236 : memref<1x40x32xi32, #tpu.memory_space<hbm>> -> memref<40x32xi32, #tpu.memory_space<hbm>>
        %dma_start3A_238 = arith.constant 0 : i32
        %dma_start3A_239 = tpu.memref_slice %arg5[%add3A, %mul3A_229, %dma_start3A_238] : memref<32x320x32xi32, #tpu.memory_space<hbm>> -> memref<1x40x32xi32, #tpu.memory_space<hbm>>
        %dma_start3A_240 = tpu.memref_squeeze %dma_start3A_239 : memref<1x40x32xi32, #tpu.memory_space<hbm>> -> memref<40x32xi32, #tpu.memory_space<hbm>>
        tpu.enqueue_dma source(%dma_start3A_240 : memref<40x32xi32, #tpu.memory_space<hbm>>) target(%arg10 : memref<40x32xi32, #tpu.memory_space<vmem>>) target_semaphore(%run_scoped3A : memref<!tpu.dma_semaphore, #tpu.memory_space<semaphore_mem>>)
        %dma_wait3A_241 = arith.constant 0 : i32
        %dma_wait3A_242 = tpu.memref_slice %arg5[%add3A, %mul3A_229, %dma_wait3A_241] : memref<32x320x32xi32, #tpu.memory_space<hbm>> -> memref<1x40x32xi32, #tpu.memory_space<hbm>>
        %dma_wait3A_243 = tpu.memref_squeeze %dma_wait3A_242 : memref<1x40x32xi32, #tpu.memory_space<hbm>> -> memref<40x32xi32, #tpu.memory_space<hbm>>
        %dma_wait3A_244 = arith.constant 0 : i32
        %dma_wait3A_245 = tpu.memref_slice %arg5[%add3A, %mul3A_229, %dma_wait3A_244] : memref<32x320x32xi32, #tpu.memory_space<hbm>> -> memref<1x40x32xi32, #tpu.memory_space<hbm>>
        %dma_wait3A_246 = tpu.memref_squeeze %dma_wait3A_245 : memref<1x40x32xi32, #tpu.memory_space<hbm>> -> memref<40x32xi32, #tpu.memory_space<hbm>>
        tpu.wait_dma2 semaphore(%run_scoped3A : memref<!tpu.dma_semaphore, #tpu.memory_space<semaphore_mem>>) src(%dma_wait3A_246 : memref<40x32xi32, #tpu.memory_space<hbm>>) dst(%arg10 : memref<40x32xi32, #tpu.memory_space<vmem>>)
        tpu.yield
      }) : () -> ()
      %scan3A_230 = arith.constant 0 : i32
      %scan3A_231 = arith.constant 10 : i32
      %scan3A_232 = arith.addi %scan3A_230, %scan3A_231 : i32
      %scan3A_233 = arith.constant 1 : i32
      scf.for %scan3A_235 = %scan3A_230 to %scan3A_232 step %scan3A_233  : i32 {
        %mul3A_236 = arith.constant 4 : i32
        %mul3A_237 = arith.muli %mul3A_236, %scan3A_235 : i32
        %dma_wait3A_238 = arith.constant 0 : i32
        %dma_wait3A_239 = arith.constant 0 : i32
        %dma_wait3A_240 = tpu.memref_slice %arg11[%dma_wait3A_238, %dma_wait3A_239] : memref<4x32xi32, #tpu.memory_space<vmem>> -> memref<1x32xi32, #tpu.memory_space<vmem>>
        %dma_wait3A_241 = tpu.memref_squeeze %dma_wait3A_240 : memref<1x32xi32, #tpu.memory_space<vmem>> -> memref<32xi32, #tpu.memory_space<vmem>>
        %dma_wait3A_242 = arith.constant 0 : i32
        %dma_wait3A_243 = arith.constant 0 : i32
        %dma_wait3A_244 = tpu.memref_slice %arg8[%dma_wait3A_242, %dma_wait3A_243] : memref<10112x128xf32, #tpu.memory_space<vmem_shared>> -> memref<10112x128xf32, #tpu.memory_space<vmem_shared>>
        tpu.wait_indirect_dma semaphore(%arg29 : memref<!tpu.dma_semaphore, #tpu.memory_space<semaphore_mem>>) src(%arg13 : memref<32x128xf32, #tpu.memory_space<vmem>>) dst(%dma_wait3A_244 : memref<10112x128xf32, #tpu.memory_space<vmem_shared>>)
        %add3A_245 = arith.constant 0 : i32
        %add3A_246 = arith.addi %mul3A_237, %add3A_245 : i32
        %dma_start3A_247 = arith.constant 0 : i32
        %dma_start3A_248 = tpu.memref_slice %arg9[%add3A_246, %dma_start3A_247] : memref<40x32xi32, #tpu.memory_space<vmem>> -> memref<1x32xi32, #tpu.memory_space<vmem>>
        %dma_start3A_249 = tpu.memref_squeeze %dma_start3A_248 : memref<1x32xi32, #tpu.memory_space<vmem>> -> memref<32xi32, #tpu.memory_space<vmem>>
        %dma_start3A_250 = arith.constant 0 : i32
        %dma_start3A_251 = arith.constant 0 : i32
        %dma_start3A_252 = tpu.memref_slice %arg2[%dma_start3A_250, %dma_start3A_251] : memref<10000x128xf32, #tpu.memory_space<hbm>> -> memref<10000x128xf32, #tpu.memory_space<hbm>>
        tpu.enqueue_indirect_dma source(%dma_start3A_252 : memref<10000x128xf32, #tpu.memory_space<hbm>>) target(%arg13 : memref<32x128xf32, #tpu.memory_space<vmem>>) offsets(%dma_start3A_249 : memref<32xi32, #tpu.memory_space<vmem>>) semaphore(%arg21 : memref<!tpu.dma_semaphore, #tpu.memory_space<semaphore_mem>>)
        %dma_wait3A_253 = arith.constant 0 : i32
        %dma_wait3A_254 = arith.constant 0 : i32
        %dma_wait3A_255 = tpu.memref_slice %arg12[%dma_wait3A_253, %dma_wait3A_254] : memref<4x32xi32, #tpu.memory_space<vmem>> -> memref<1x32xi32, #tpu.memory_space<vmem>>
        %dma_wait3A_256 = tpu.memref_squeeze %dma_wait3A_255 : memref<1x32xi32, #tpu.memory_space<vmem>> -> memref<32xi32, #tpu.memory_space<vmem>>
        %dma_wait3A_257 = arith.constant 0 : i32
        %dma_wait3A_258 = arith.constant 0 : i32
        %dma_wait3A_259 = tpu.memref_slice %arg8[%dma_wait3A_257, %dma_wait3A_258] : memref<10112x128xf32, #tpu.memory_space<vmem_shared>> -> memref<10112x128xf32, #tpu.memory_space<vmem_shared>>
        tpu.wait_indirect_dma semaphore(%arg33 : memref<!tpu.dma_semaphore, #tpu.memory_space<semaphore_mem>>) src(%arg17 : memref<32x128xf32, #tpu.memory_space<vmem>>) dst(%dma_wait3A_259 : memref<10112x128xf32, #tpu.memory_space<vmem_shared>>)
        %add3A_260 = arith.constant 0 : i32
        %add3A_261 = arith.addi %mul3A_237, %add3A_260 : i32
        %dma_start3A_262 = arith.constant 0 : i32
        %dma_start3A_263 = tpu.memref_slice %arg10[%add3A_261, %dma_start3A_262] : memref<40x32xi32, #tpu.memory_space<vmem>> -> memref<1x32xi32, #tpu.memory_space<vmem>>
        %dma_start3A_264 = tpu.memref_squeeze %dma_start3A_263 : memref<1x32xi32, #tpu.memory_space<vmem>> -> memref<32xi32, #tpu.memory_space<vmem>>
        %dma_start3A_265 = arith.constant 0 : i32
        %dma_start3A_266 = arith.constant 0 : i32
        %dma_start3A_267 = tpu.memref_slice %arg3[%dma_start3A_265, %dma_start3A_266] : memref<10000x128xf32, #tpu.memory_space<hbm>> -> memref<10000x128xf32, #tpu.memory_space<hbm>>
        tpu.enqueue_indirect_dma source(%dma_start3A_267 : memref<10000x128xf32, #tpu.memory_space<hbm>>) target(%arg17 : memref<32x128xf32, #tpu.memory_space<vmem>>) offsets(%dma_start3A_264 : memref<32xi32, #tpu.memory_space<vmem>>) semaphore(%arg25 : memref<!tpu.dma_semaphore, #tpu.memory_space<semaphore_mem>>)
        %add3A_268 = arith.constant 0 : i32
        %add3A_269 = arith.addi %mul3A_237, %add3A_268 : i32
        %get3A = arith.index_cast %add3A_269 : i32 to index
        %get3A_270 = arith.constant 0 : index
        %get3A_271 = tpu.vector_load %arg9[%get3A, %get3A_270] {strides = array<i32>} : memref<40x32xi32, #tpu.memory_space<vmem>>, vector<1x16xi32>,
        %get3A_272 = vector.shape_cast %get3A_271 : vector<1x16xi32> to vector<16xi32>
        %get3A_273 = arith.index_cast %add3A_269 : i32 to index
        %get3A_274 = arith.constant 0 : index
        %get3A_275 = tpu.vector_load %arg10[%get3A_273, %get3A_274] {strides = array<i32>} : memref<40x32xi32, #tpu.memory_space<vmem>>, vector<1x16xi32>,
        %get3A_276 = vector.shape_cast %get3A_275 : vector<1x16xi32> to vector<16xi32>
        %eq3A = arith.cmpi eq, %get3A_272, %get3A_276 : vector<16xi32>
        %broadcast_in_dim3A_277 = vector.broadcast %add3A_6 : i32 to vector<16xi32>
        %select_n3A = arith.select %eq3A, %broadcast_in_dim3A_277, %get3A_276 : vector<16xi1>, vector<16xi32>
        %swap3A_278 = arith.constant 0 : i32
        %swap3A_279 = arith.index_cast %swap3A_278 : i32 to index
        %swap3A_280 = arith.constant 0 : index
        %swap3A_281 = tpu.vector_load %arg11[%swap3A_279, %swap3A_280] {strides = array<i32>} : memref<4x32xi32, #tpu.memory_space<vmem>>, vector<1x16xi32>,
        %swap3A_282 = vector.shape_cast %swap3A_281 : vector<1x16xi32> to vector<16xi32>
        %swap3A_283 = vector.shape_cast %select_n3A : vector<16xi32> to vector<1x16xi32>
        tpu.vector_store %arg11[%swap3A_279, %swap3A_280], %swap3A_283 {strides = array<i32>} : memref<4x32xi32, #tpu.memory_space<vmem>>, vector<1x16xi32>,
        %broadcast_in_dim3A_284 = vector.broadcast %add3A_6 : i32 to vector<16xi32>
        %select_n3A_285 = arith.select %eq3A, %broadcast_in_dim3A_284, %get3A_272 : vector<16xi1>, vector<16xi32>
        %swap3A_286 = arith.constant 0 : i32
        %swap3A_287 = arith.index_cast %swap3A_286 : i32 to index
        %swap3A_288 = arith.constant 0 : index
        %swap3A_289 = tpu.vector_load %arg12[%swap3A_287, %swap3A_288] {strides = array<i32>} : memref<4x32xi32, #tpu.memory_space<vmem>>, vector<1x16xi32>,
        %swap3A_290 = vector.shape_cast %swap3A_289 : vector<1x16xi32> to vector<16xi32>
        %swap3A_291 = vector.shape_cast %select_n3A_285 : vector<16xi32> to vector<1x16xi32>
        tpu.vector_store %arg12[%swap3A_287, %swap3A_288], %swap3A_291 {strides = array<i32>} : memref<4x32xi32, #tpu.memory_space<vmem>>, vector<1x16xi32>,
        %get3A_292 = arith.index_cast %add3A_269 : i32 to index
        %get3A_293 = arith.constant 16 : index
        %get3A_294 = tpu.vector_load %arg9[%get3A_292, %get3A_293] {strides = array<i32>} : memref<40x32xi32, #tpu.memory_space<vmem>>, vector<1x16xi32>,
        %get3A_295 = vector.shape_cast %get3A_294 : vector<1x16xi32> to vector<16xi32>
        %get3A_296 = arith.index_cast %add3A_269 : i32 to index
        %get3A_297 = arith.constant 16 : index
        %get3A_298 = tpu.vector_load %arg10[%get3A_296, %get3A_297] {strides = array<i32>} : memref<40x32xi32, #tpu.memory_space<vmem>>, vector<1x16xi32>,
        %get3A_299 = vector.shape_cast %get3A_298 : vector<1x16xi32> to vector<16xi32>
        %eq3A_300 = arith.cmpi eq, %get3A_295, %get3A_299 : vector<16xi32>
        %broadcast_in_dim3A_301 = vector.broadcast %add3A_6 : i32 to vector<16xi32>
        %select_n3A_302 = arith.select %eq3A_300, %broadcast_in_dim3A_301, %get3A_299 : vector<16xi1>, vector<16xi32>
        %swap3A_303 = arith.constant 0 : i32
        %swap3A_304 = arith.index_cast %swap3A_303 : i32 to index
        %swap3A_305 = arith.constant 16 : index
        %swap3A_306 = tpu.vector_load %arg11[%swap3A_304, %swap3A_305] {strides = array<i32>} : memref<4x32xi32, #tpu.memory_space<vmem>>, vector<1x16xi32>,
        %swap3A_307 = vector.shape_cast %swap3A_306 : vector<1x16xi32> to vector<16xi32>
        %swap3A_308 = vector.shape_cast %select_n3A_302 : vector<16xi32> to vector<1x16xi32>
        tpu.vector_store %arg11[%swap3A_304, %swap3A_305], %swap3A_308 {strides = array<i32>} : memref<4x32xi32, #tpu.memory_space<vmem>>, vector<1x16xi32>,
        %broadcast_in_dim3A_309 = vector.broadcast %add3A_6 : i32 to vector<16xi32>
        %select_n3A_310 = arith.select %eq3A_300, %broadcast_in_dim3A_309, %get3A_295 : vector<16xi1>, vector<16xi32>
        %swap3A_311 = arith.constant 0 : i32
        %swap3A_312 = arith.index_cast %swap3A_311 : i32 to index
        %swap3A_313 = arith.constant 16 : index
        %swap3A_314 = tpu.vector_load %arg12[%swap3A_312, %swap3A_313] {strides = array<i32>} : memref<4x32xi32, #tpu.memory_space<vmem>>, vector<1x16xi32>,
        %swap3A_315 = vector.shape_cast %swap3A_314 : vector<1x16xi32> to vector<16xi32>
        %swap3A_316 = vector.shape_cast %select_n3A_310 : vector<16xi32> to vector<1x16xi32>
        tpu.vector_store %arg12[%swap3A_312, %swap3A_313], %swap3A_316 {strides = array<i32>} : memref<4x32xi32, #tpu.memory_space<vmem>>, vector<1x16xi32>,
        %dma_wait3A_317 = arith.constant 1 : i32
        %dma_wait3A_318 = arith.constant 0 : i32
        %dma_wait3A_319 = tpu.memref_slice %arg11[%dma_wait3A_317, %dma_wait3A_318] : memref<4x32xi32, #tpu.memory_space<vmem>> -> memref<1x32xi32, #tpu.memory_space<vmem>>
        %dma_wait3A_320 = tpu.memref_squeeze %dma_wait3A_319 : memref<1x32xi32, #tpu.memory_space<vmem>> -> memref<32xi32, #tpu.memory_space<vmem>>
        %dma_wait3A_321 = arith.constant 0 : i32
        %dma_wait3A_322 = arith.constant 0 : i32
        %dma_wait3A_323 = tpu.memref_slice %arg8[%dma_wait3A_321, %dma_wait3A_322] : memref<10112x128xf32, #tpu.memory_space<vmem_shared>> -> memref<10112x128xf32, #tpu.memory_space<vmem_shared>>
        tpu.wait_indirect_dma semaphore(%arg30 : memref<!tpu.dma_semaphore, #tpu.memory_space<semaphore_mem>>) src(%arg14 : memref<32x128xf32, #tpu.memory_space<vmem>>) dst(%dma_wait3A_323 : memref<10112x128xf32, #tpu.memory_space<vmem_shared>>)
        %add3A_324 = arith.constant 1 : i32
        %add3A_325 = arith.addi %mul3A_237, %add3A_324 : i32
        %dma_start3A_326 = arith.constant 0 : i32
        %dma_start3A_327 = tpu.memref_slice %arg9[%add3A_325, %dma_start3A_326] : memref<40x32xi32, #tpu.memory_space<vmem>> -> memref<1x32xi32, #tpu.memory_space<vmem>>
        %dma_start3A_328 = tpu.memref_squeeze %dma_start3A_327 : memref<1x32xi32, #tpu.memory_space<vmem>> -> memref<32xi32, #tpu.memory_space<vmem>>
        %dma_start3A_329 = arith.constant 0 : i32
        %dma_start3A_330 = arith.constant 0 : i32
        %dma_start3A_331 = tpu.memref_slice %arg2[%dma_start3A_329, %dma_start3A_330] : memref<10000x128xf32, #tpu.memory_space<hbm>> -> memref<10000x128xf32, #tpu.memory_space<hbm>>
        tpu.enqueue_indirect_dma source(%dma_start3A_331 : memref<10000x128xf32, #tpu.memory_space<hbm>>) target(%arg14 : memref<32x128xf32, #tpu.memory_space<vmem>>) offsets(%dma_start3A_328 : memref<32xi32, #tpu.memory_space<vmem>>) semaphore(%arg22 : memref<!tpu.dma_semaphore, #tpu.memory_space<semaphore_mem>>)
        %dma_wait3A_332 = arith.constant 1 : i32
        %dma_wait3A_333 = arith.constant 0 : i32
        %dma_wait3A_334 = tpu.memref_slice %arg12[%dma_wait3A_332, %dma_wait3A_333] : memref<4x32xi32, #tpu.memory_space<vmem>> -> memref<1x32xi32, #tpu.memory_space<vmem>>
        %dma_wait3A_335 = tpu.memref_squeeze %dma_wait3A_334 : memref<1x32xi32, #tpu.memory_space<vmem>> -> memref<32xi32, #tpu.memory_space<vmem>>
        %dma_wait3A_336 = arith.constant 0 : i32
        %dma_wait3A_337 = arith.constant 0 : i32
        %dma_wait3A_338 = tpu.memref_slice %arg8[%dma_wait3A_336, %dma_wait3A_337] : memref<10112x128xf32, #tpu.memory_space<vmem_shared>> -> memref<10112x128xf32, #tpu.memory_space<vmem_shared>>
        tpu.wait_indirect_dma semaphore(%arg34 : memref<!tpu.dma_semaphore, #tpu.memory_space<semaphore_mem>>) src(%arg18 : memref<32x128xf32, #tpu.memory_space<vmem>>) dst(%dma_wait3A_338 : memref<10112x128xf32, #tpu.memory_space<vmem_shared>>)
        %add3A_339 = arith.constant 1 : i32
        %add3A_340 = arith.addi %mul3A_237, %add3A_339 : i32
        %dma_start3A_341 = arith.constant 0 : i32
        %dma_start3A_342 = tpu.memref_slice %arg10[%add3A_340, %dma_start3A_341] : memref<40x32xi32, #tpu.memory_space<vmem>> -> memref<1x32xi32, #tpu.memory_space<vmem>>
        %dma_start3A_343 = tpu.memref_squeeze %dma_start3A_342 : memref<1x32xi32, #tpu.memory_space<vmem>> -> memref<32xi32, #tpu.memory_space<vmem>>
        %dma_start3A_344 = arith.constant 0 : i32
        %dma_start3A_345 = arith.constant 0 : i32
        %dma_start3A_346 = tpu.memref_slice %arg3[%dma_start3A_344, %dma_start3A_345] : memref<10000x128xf32, #tpu.memory_space<hbm>> -> memref<10000x128xf32, #tpu.memory_space<hbm>>
        tpu.enqueue_indirect_dma source(%dma_start3A_346 : memref<10000x128xf32, #tpu.memory_space<hbm>>) target(%arg18 : memref<32x128xf32, #tpu.memory_space<vmem>>) offsets(%dma_start3A_343 : memref<32xi32, #tpu.memory_space<vmem>>) semaphore(%arg26 : memref<!tpu.dma_semaphore, #tpu.memory_space<semaphore_mem>>)
        %add3A_347 = arith.constant 1 : i32
        %add3A_348 = arith.addi %mul3A_237, %add3A_347 : i32
        %get3A_349 = arith.index_cast %add3A_348 : i32 to index
        %get3A_350 = arith.constant 0 : index
        %get3A_351 = tpu.vector_load %arg9[%get3A_349, %get3A_350] {strides = array<i32>} : memref<40x32xi32, #tpu.memory_space<vmem>>, vector<1x16xi32>,
        %get3A_352 = vector.shape_cast %get3A_351 : vector<1x16xi32> to vector<16xi32>
        %get3A_353 = arith.index_cast %add3A_348 : i32 to index
        %get3A_354 = arith.constant 0 : index
        %get3A_355 = tpu.vector_load %arg10[%get3A_353, %get3A_354] {strides = array<i32>} : memref<40x32xi32, #tpu.memory_space<vmem>>, vector<1x16xi32>,
        %get3A_356 = vector.shape_cast %get3A_355 : vector<1x16xi32> to vector<16xi32>
        %eq3A_357 = arith.cmpi eq, %get3A_352, %get3A_356 : vector<16xi32>
        %broadcast_in_dim3A_358 = vector.broadcast %add3A_6 : i32 to vector<16xi32>
        %select_n3A_359 = arith.select %eq3A_357, %broadcast_in_dim3A_358, %get3A_356 : vector<16xi1>, vector<16xi32>
        %swap3A_360 = arith.constant 1 : i32
        %swap3A_361 = arith.index_cast %swap3A_360 : i32 to index
        %swap3A_362 = arith.constant 0 : index
        %swap3A_363 = tpu.vector_load %arg11[%swap3A_361, %swap3A_362] {strides = array<i32>} : memref<4x32xi32, #tpu.memory_space<vmem>>, vector<1x16xi32>,
        %swap3A_364 = vector.shape_cast %swap3A_363 : vector<1x16xi32> to vector<16xi32>
        %swap3A_365 = vector.shape_cast %select_n3A_359 : vector<16xi32> to vector<1x16xi32>
        tpu.vector_store %arg11[%swap3A_361, %swap3A_362], %swap3A_365 {strides = array<i32>} : memref<4x32xi32, #tpu.memory_space<vmem>>, vector<1x16xi32>,
        %broadcast_in_dim3A_366 = vector.broadcast %add3A_6 : i32 to vector<16xi32>
        %select_n3A_367 = arith.select %eq3A_357, %broadcast_in_dim3A_366, %get3A_352 : vector<16xi1>, vector<16xi32>
        %swap3A_368 = arith.constant 1 : i32
        %swap3A_369 = arith.index_cast %swap3A_368 : i32 to index
        %swap3A_370 = arith.constant 0 : index
        %swap3A_371 = tpu.vector_load %arg12[%swap3A_369, %swap3A_370] {strides = array<i32>} : memref<4x32xi32, #tpu.memory_space<vmem>>, vector<1x16xi32>,
        %swap3A_372 = vector.shape_cast %swap3A_371 : vector<1x16xi32> to vector<16xi32>
        %swap3A_373 = vector.shape_cast %select_n3A_367 : vector<16xi32> to vector<1x16xi32>
        tpu.vector_store %arg12[%swap3A_369, %swap3A_370], %swap3A_373 {strides = array<i32>} : memref<4x32xi32, #tpu.memory_space<vmem>>, vector<1x16xi32>,
        %get3A_374 = arith.index_cast %add3A_348 : i32 to index
        %get3A_375 = arith.constant 16 : index
        %get3A_376 = tpu.vector_load %arg9[%get3A_374, %get3A_375] {strides = array<i32>} : memref<40x32xi32, #tpu.memory_space<vmem>>, vector<1x16xi32>,
        %get3A_377 = vector.shape_cast %get3A_376 : vector<1x16xi32> to vector<16xi32>
        %get3A_378 = arith.index_cast %add3A_348 : i32 to index
        %get3A_379 = arith.constant 16 : index
        %get3A_380 = tpu.vector_load %arg10[%get3A_378, %get3A_379] {strides = array<i32>} : memref<40x32xi32, #tpu.memory_space<vmem>>, vector<1x16xi32>,
        %get3A_381 = vector.shape_cast %get3A_380 : vector<1x16xi32> to vector<16xi32>
        %eq3A_382 = arith.cmpi eq, %get3A_377, %get3A_381 : vector<16xi32>
        %broadcast_in_dim3A_383 = vector.broadcast %add3A_6 : i32 to vector<16xi32>
        %select_n3A_384 = arith.select %eq3A_382, %broadcast_in_dim3A_383, %get3A_381 : vector<16xi1>, vector<16xi32>
        %swap3A_385 = arith.constant 1 : i32
        %swap3A_386 = arith.index_cast %swap3A_385 : i32 to index
        %swap3A_387 = arith.constant 16 : index
        %swap3A_388 = tpu.vector_load %arg11[%swap3A_386, %swap3A_387] {strides = array<i32>} : memref<4x32xi32, #tpu.memory_space<vmem>>, vector<1x16xi32>,
        %swap3A_389 = vector.shape_cast %swap3A_388 : vector<1x16xi32> to vector<16xi32>
        %swap3A_390 = vector.shape_cast %select_n3A_384 : vector<16xi32> to vector<1x16xi32>
        tpu.vector_store %arg11[%swap3A_386, %swap3A_387], %swap3A_390 {strides = array<i32>} : memref<4x32xi32, #tpu.memory_space<vmem>>, vector<1x16xi32>,
        %broadcast_in_dim3A_391 = vector.broadcast %add3A_6 : i32 to vector<16xi32>
        %select_n3A_392 = arith.select %eq3A_382, %broadcast_in_dim3A_391, %get3A_377 : vector<16xi1>, vector<16xi32>
        %swap3A_393 = arith.constant 1 : i32
        %swap3A_394 = arith.index_cast %swap3A_393 : i32 to index
        %swap3A_395 = arith.constant 16 : index
        %swap3A_396 = tpu.vector_load %arg12[%swap3A_394, %swap3A_395] {strides = array<i32>} : memref<4x32xi32, #tpu.memory_space<vmem>>, vector<1x16xi32>,
        %swap3A_397 = vector.shape_cast %swap3A_396 : vector<1x16xi32> to vector<16xi32>
        %swap3A_398 = vector.shape_cast %select_n3A_392 : vector<16xi32> to vector<1x16xi32>
        tpu.vector_store %arg12[%swap3A_394, %swap3A_395], %swap3A_398 {strides = array<i32>} : memref<4x32xi32, #tpu.memory_space<vmem>>, vector<1x16xi32>,
        %dma_wait3A_399 = arith.constant 2 : i32
        %dma_wait3A_400 = arith.constant 0 : i32
        %dma_wait3A_401 = tpu.memref_slice %arg11[%dma_wait3A_399, %dma_wait3A_400] : memref<4x32xi32, #tpu.memory_space<vmem>> -> memref<1x32xi32, #tpu.memory_space<vmem>>
        %dma_wait3A_402 = tpu.memref_squeeze %dma_wait3A_401 : memref<1x32xi32, #tpu.memory_space<vmem>> -> memref<32xi32, #tpu.memory_space<vmem>>
        %dma_wait3A_403 = arith.constant 0 : i32
        %dma_wait3A_404 = arith.constant 0 : i32
        %dma_wait3A_405 = tpu.memref_slice %arg8[%dma_wait3A_403, %dma_wait3A_404] : memref<10112x128xf32, #tpu.memory_space<vmem_shared>> -> memref<10112x128xf32, #tpu.memory_space<vmem_shared>>
        tpu.wait_indirect_dma semaphore(%arg31 : memref<!tpu.dma_semaphore, #tpu.memory_space<semaphore_mem>>) src(%arg15 : memref<32x128xf32, #tpu.memory_space<vmem>>) dst(%dma_wait3A_405 : memref<10112x128xf32, #tpu.memory_space<vmem_shared>>)
        %add3A_406 = arith.constant 2 : i32
        %add3A_407 = arith.addi %mul3A_237, %add3A_406 : i32
        %dma_start3A_408 = arith.constant 0 : i32
        %dma_start3A_409 = tpu.memref_slice %arg9[%add3A_407, %dma_start3A_408] : memref<40x32xi32, #tpu.memory_space<vmem>> -> memref<1x32xi32, #tpu.memory_space<vmem>>
        %dma_start3A_410 = tpu.memref_squeeze %dma_start3A_409 : memref<1x32xi32, #tpu.memory_space<vmem>> -> memref<32xi32, #tpu.memory_space<vmem>>
        %dma_start3A_411 = arith.constant 0 : i32
        %dma_start3A_412 = arith.constant 0 : i32
        %dma_start3A_413 = tpu.memref_slice %arg2[%dma_start3A_411, %dma_start3A_412] : memref<10000x128xf32, #tpu.memory_space<hbm>> -> memref<10000x128xf32, #tpu.memory_space<hbm>>
        tpu.enqueue_indirect_dma source(%dma_start3A_413 : memref<10000x128xf32, #tpu.memory_space<hbm>>) target(%arg15 : memref<32x128xf32, #tpu.memory_space<vmem>>) offsets(%dma_start3A_410 : memref<32xi32, #tpu.memory_space<vmem>>) semaphore(%arg23 : memref<!tpu.dma_semaphore, #tpu.memory_space<semaphore_mem>>)
        %dma_wait3A_414 = arith.constant 2 : i32
        %dma_wait3A_415 = arith.constant 0 : i32
        %dma_wait3A_416 = tpu.memref_slice %arg12[%dma_wait3A_414, %dma_wait3A_415] : memref<4x32xi32, #tpu.memory_space<vmem>> -> memref<1x32xi32, #tpu.memory_space<vmem>>
        %dma_wait3A_417 = tpu.memref_squeeze %dma_wait3A_416 : memref<1x32xi32, #tpu.memory_space<vmem>> -> memref<32xi32, #tpu.memory_space<vmem>>
        %dma_wait3A_418 = arith.constant 0 : i32
        %dma_wait3A_419 = arith.constant 0 : i32
        %dma_wait3A_420 = tpu.memref_slice %arg8[%dma_wait3A_418, %dma_wait3A_419] : memref<10112x128xf32, #tpu.memory_space<vmem_shared>> -> memref<10112x128xf32, #tpu.memory_space<vmem_shared>>
        tpu.wait_indirect_dma semaphore(%arg35 : memref<!tpu.dma_semaphore, #tpu.memory_space<semaphore_mem>>) src(%arg19 : memref<32x128xf32, #tpu.memory_space<vmem>>) dst(%dma_wait3A_420 : memref<10112x128xf32, #tpu.memory_space<vmem_shared>>)
        %add3A_421 = arith.constant 2 : i32
        %add3A_422 = arith.addi %mul3A_237, %add3A_421 : i32
        %dma_start3A_423 = arith.constant 0 : i32
        %dma_start3A_424 = tpu.memref_slice %arg10[%add3A_422, %dma_start3A_423] : memref<40x32xi32, #tpu.memory_space<vmem>> -> memref<1x32xi32, #tpu.memory_space<vmem>>
        %dma_start3A_425 = tpu.memref_squeeze %dma_start3A_424 : memref<1x32xi32, #tpu.memory_space<vmem>> -> memref<32xi32, #tpu.memory_space<vmem>>
        %dma_start3A_426 = arith.constant 0 : i32
        %dma_start3A_427 = arith.constant 0 : i32
        %dma_start3A_428 = tpu.memref_slice %arg3[%dma_start3A_426, %dma_start3A_427] : memref<10000x128xf32, #tpu.memory_space<hbm>> -> memref<10000x128xf32, #tpu.memory_space<hbm>>
        tpu.enqueue_indirect_dma source(%dma_start3A_428 : memref<10000x128xf32, #tpu.memory_space<hbm>>) target(%arg19 : memref<32x128xf32, #tpu.memory_space<vmem>>) offsets(%dma_start3A_425 : memref<32xi32, #tpu.memory_space<vmem>>) semaphore(%arg27 : memref<!tpu.dma_semaphore, #tpu.memory_space<semaphore_mem>>)
        %add3A_429 = arith.constant 2 : i32
        %add3A_430 = arith.addi %mul3A_237, %add3A_429 : i32
        %get3A_431 = arith.index_cast %add3A_430 : i32 to index
        %get3A_432 = arith.constant 0 : index
        %get3A_433 = tpu.vector_load %arg9[%get3A_431, %get3A_432] {strides = array<i32>} : memref<40x32xi32, #tpu.memory_space<vmem>>, vector<1x16xi32>,
        %get3A_434 = vector.shape_cast %get3A_433 : vector<1x16xi32> to vector<16xi32>
        %get3A_435 = arith.index_cast %add3A_430 : i32 to index
        %get3A_436 = arith.constant 0 : index
        %get3A_437 = tpu.vector_load %arg10[%get3A_435, %get3A_436] {strides = array<i32>} : memref<40x32xi32, #tpu.memory_space<vmem>>, vector<1x16xi32>,
        %get3A_438 = vector.shape_cast %get3A_437 : vector<1x16xi32> to vector<16xi32>
        %eq3A_439 = arith.cmpi eq, %get3A_434, %get3A_438 : vector<16xi32>
        %broadcast_in_dim3A_440 = vector.broadcast %add3A_6 : i32 to vector<16xi32>
        %select_n3A_441 = arith.select %eq3A_439, %broadcast_in_dim3A_440, %get3A_438 : vector<16xi1>, vector<16xi32>
        %swap3A_442 = arith.constant 2 : i32
        %swap3A_443 = arith.index_cast %swap3A_442 : i32 to index
        %swap3A_444 = arith.constant 0 : index
        %swap3A_445 = tpu.vector_load %arg11[%swap3A_443, %swap3A_444] {strides = array<i32>} : memref<4x32xi32, #tpu.memory_space<vmem>>, vector<1x16xi32>,
        %swap3A_446 = vector.shape_cast %swap3A_445 : vector<1x16xi32> to vector<16xi32>
        %swap3A_447 = vector.shape_cast %select_n3A_441 : vector<16xi32> to vector<1x16xi32>
        tpu.vector_store %arg11[%swap3A_443, %swap3A_444], %swap3A_447 {strides = array<i32>} : memref<4x32xi32, #tpu.memory_space<vmem>>, vector<1x16xi32>,
        %broadcast_in_dim3A_448 = vector.broadcast %add3A_6 : i32 to vector<16xi32>
        %select_n3A_449 = arith.select %eq3A_439, %broadcast_in_dim3A_448, %get3A_434 : vector<16xi1>, vector<16xi32>
        %swap3A_450 = arith.constant 2 : i32
        %swap3A_451 = arith.index_cast %swap3A_450 : i32 to index
        %swap3A_452 = arith.constant 0 : index
        %swap3A_453 = tpu.vector_load %arg12[%swap3A_451, %swap3A_452] {strides = array<i32>} : memref<4x32xi32, #tpu.memory_space<vmem>>, vector<1x16xi32>,
        %swap3A_454 = vector.shape_cast %swap3A_453 : vector<1x16xi32> to vector<16xi32>
        %swap3A_455 = vector.shape_cast %select_n3A_449 : vector<16xi32> to vector<1x16xi32>
        tpu.vector_store %arg12[%swap3A_451, %swap3A_452], %swap3A_455 {strides = array<i32>} : memref<4x32xi32, #tpu.memory_space<vmem>>, vector<1x16xi32>,
        %get3A_456 = arith.index_cast %add3A_430 : i32 to index
        %get3A_457 = arith.constant 16 : index
        %get3A_458 = tpu.vector_load %arg9[%get3A_456, %get3A_457] {strides = array<i32>} : memref<40x32xi32, #tpu.memory_space<vmem>>, vector<1x16xi32>,
        %get3A_459 = vector.shape_cast %get3A_458 : vector<1x16xi32> to vector<16xi32>
        %get3A_460 = arith.index_cast %add3A_430 : i32 to index
        %get3A_461 = arith.constant 16 : index
        %get3A_462 = tpu.vector_load %arg10[%get3A_460, %get3A_461] {strides = array<i32>} : memref<40x32xi32, #tpu.memory_space<vmem>>, vector<1x16xi32>,
        %get3A_463 = vector.shape_cast %get3A_462 : vector<1x16xi32> to vector<16xi32>
        %eq3A_464 = arith.cmpi eq, %get3A_459, %get3A_463 : vector<16xi32>
        %broadcast_in_dim3A_465 = vector.broadcast %add3A_6 : i32 to vector<16xi32>
        %select_n3A_466 = arith.select %eq3A_464, %broadcast_in_dim3A_465, %get3A_463 : vector<16xi1>, vector<16xi32>
        %swap3A_467 = arith.constant 2 : i32
        %swap3A_468 = arith.index_cast %swap3A_467 : i32 to index
        %swap3A_469 = arith.constant 16 : index
        %swap3A_470 = tpu.vector_load %arg11[%swap3A_468, %swap3A_469] {strides = array<i32>} : memref<4x32xi32, #tpu.memory_space<vmem>>, vector<1x16xi32>,
        %swap3A_471 = vector.shape_cast %swap3A_470 : vector<1x16xi32> to vector<16xi32>
        %swap3A_472 = vector.shape_cast %select_n3A_466 : vector<16xi32> to vector<1x16xi32>
        tpu.vector_store %arg11[%swap3A_468, %swap3A_469], %swap3A_472 {strides = array<i32>} : memref<4x32xi32, #tpu.memory_space<vmem>>, vector<1x16xi32>,
        %broadcast_in_dim3A_473 = vector.broadcast %add3A_6 : i32 to vector<16xi32>
        %select_n3A_474 = arith.select %eq3A_464, %broadcast_in_dim3A_473, %get3A_459 : vector<16xi1>, vector<16xi32>
        %swap3A_475 = arith.constant 2 : i32
        %swap3A_476 = arith.index_cast %swap3A_475 : i32 to index
        %swap3A_477 = arith.constant 16 : index
        %swap3A_478 = tpu.vector_load %arg12[%swap3A_476, %swap3A_477] {strides = array<i32>} : memref<4x32xi32, #tpu.memory_space<vmem>>, vector<1x16xi32>,
        %swap3A_479 = vector.shape_cast %swap3A_478 : vector<1x16xi32> to vector<16xi32>
        %swap3A_480 = vector.shape_cast %select_n3A_474 : vector<16xi32> to vector<1x16xi32>
        tpu.vector_store %arg12[%swap3A_476, %swap3A_477], %swap3A_480 {strides = array<i32>} : memref<4x32xi32, #tpu.memory_space<vmem>>, vector<1x16xi32>,
        %dma_wait3A_481 = arith.constant 3 : i32
        %dma_wait3A_482 = arith.constant 0 : i32
        %dma_wait3A_483 = tpu.memref_slice %arg11[%dma_wait3A_481, %dma_wait3A_482] : memref<4x32xi32, #tpu.memory_space<vmem>> -> memref<1x32xi32, #tpu.memory_space<vmem>>
        %dma_wait3A_484 = tpu.memref_squeeze %dma_wait3A_483 : memref<1x32xi32, #tpu.memory_space<vmem>> -> memref<32xi32, #tpu.memory_space<vmem>>
        %dma_wait3A_485 = arith.constant 0 : i32
        %dma_wait3A_486 = arith.constant 0 : i32
        %dma_wait3A_487 = tpu.memref_slice %arg8[%dma_wait3A_485, %dma_wait3A_486] : memref<10112x128xf32, #tpu.memory_space<vmem_shared>> -> memref<10112x128xf32, #tpu.memory_space<vmem_shared>>
        tpu.wait_indirect_dma semaphore(%arg32 : memref<!tpu.dma_semaphore, #tpu.memory_space<semaphore_mem>>) src(%arg16 : memref<32x128xf32, #tpu.memory_space<vmem>>) dst(%dma_wait3A_487 : memref<10112x128xf32, #tpu.memory_space<vmem_shared>>)
        %add3A_488 = arith.constant 3 : i32
        %add3A_489 = arith.addi %mul3A_237, %add3A_488 : i32
        %dma_start3A_490 = arith.constant 0 : i32
        %dma_start3A_491 = tpu.memref_slice %arg9[%add3A_489, %dma_start3A_490] : memref<40x32xi32, #tpu.memory_space<vmem>> -> memref<1x32xi32, #tpu.memory_space<vmem>>
        %dma_start3A_492 = tpu.memref_squeeze %dma_start3A_491 : memref<1x32xi32, #tpu.memory_space<vmem>> -> memref<32xi32, #tpu.memory_space<vmem>>
        %dma_start3A_493 = arith.constant 0 : i32
        %dma_start3A_494 = arith.constant 0 : i32
        %dma_start3A_495 = tpu.memref_slice %arg2[%dma_start3A_493, %dma_start3A_494] : memref<10000x128xf32, #tpu.memory_space<hbm>> -> memref<10000x128xf32, #tpu.memory_space<hbm>>
        tpu.enqueue_indirect_dma source(%dma_start3A_495 : memref<10000x128xf32, #tpu.memory_space<hbm>>) target(%arg16 : memref<32x128xf32, #tpu.memory_space<vmem>>) offsets(%dma_start3A_492 : memref<32xi32, #tpu.memory_space<vmem>>) semaphore(%arg24 : memref<!tpu.dma_semaphore, #tpu.memory_space<semaphore_mem>>)
        %dma_wait3A_496 = arith.constant 3 : i32
        %dma_wait3A_497 = arith.constant 0 : i32
        %dma_wait3A_498 = tpu.memref_slice %arg12[%dma_wait3A_496, %dma_wait3A_497] : memref<4x32xi32, #tpu.memory_space<vmem>> -> memref<1x32xi32, #tpu.memory_space<vmem>>
        %dma_wait3A_499 = tpu.memref_squeeze %dma_wait3A_498 : memref<1x32xi32, #tpu.memory_space<vmem>> -> memref<32xi32, #tpu.memory_space<vmem>>
        %dma_wait3A_500 = arith.constant 0 : i32
        %dma_wait3A_501 = arith.constant 0 : i32
        %dma_wait3A_502 = tpu.memref_slice %arg8[%dma_wait3A_500, %dma_wait3A_501] : memref<10112x128xf32, #tpu.memory_space<vmem_shared>> -> memref<10112x128xf32, #tpu.memory_space<vmem_shared>>
        tpu.wait_indirect_dma semaphore(%arg36 : memref<!tpu.dma_semaphore, #tpu.memory_space<semaphore_mem>>) src(%arg20 : memref<32x128xf32, #tpu.memory_space<vmem>>) dst(%dma_wait3A_502 : memref<10112x128xf32, #tpu.memory_space<vmem_shared>>)
        %add3A_503 = arith.constant 3 : i32
        %add3A_504 = arith.addi %mul3A_237, %add3A_503 : i32
        %dma_start3A_505 = arith.constant 0 : i32
        %dma_start3A_506 = tpu.memref_slice %arg10[%add3A_504, %dma_start3A_505] : memref<40x32xi32, #tpu.memory_space<vmem>> -> memref<1x32xi32, #tpu.memory_space<vmem>>
        %dma_start3A_507 = tpu.memref_squeeze %dma_start3A_506 : memref<1x32xi32, #tpu.memory_space<vmem>> -> memref<32xi32, #tpu.memory_space<vmem>>
        %dma_start3A_508 = arith.constant 0 : i32
        %dma_start3A_509 = arith.constant 0 : i32
        %dma_start3A_510 = tpu.memref_slice %arg3[%dma_start3A_508, %dma_start3A_509] : memref<10000x128xf32, #tpu.memory_space<hbm>> -> memref<10000x128xf32, #tpu.memory_space<hbm>>
        tpu.enqueue_indirect_dma source(%dma_start3A_510 : memref<10000x128xf32, #tpu.memory_space<hbm>>) target(%arg20 : memref<32x128xf32, #tpu.memory_space<vmem>>) offsets(%dma_start3A_507 : memref<32xi32, #tpu.memory_space<vmem>>) semaphore(%arg28 : memref<!tpu.dma_semaphore, #tpu.memory_space<semaphore_mem>>)
        %add3A_511 = arith.constant 3 : i32
        %add3A_512 = arith.addi %mul3A_237, %add3A_511 : i32
        %get3A_513 = arith.index_cast %add3A_512 : i32 to index
        %get3A_514 = arith.constant 0 : index
        %get3A_515 = tpu.vector_load %arg9[%get3A_513, %get3A_514] {strides = array<i32>} : memref<40x32xi32, #tpu.memory_space<vmem>>, vector<1x16xi32>,
        %get3A_516 = vector.shape_cast %get3A_515 : vector<1x16xi32> to vector<16xi32>
        %get3A_517 = arith.index_cast %add3A_512 : i32 to index
        %get3A_518 = arith.constant 0 : index
        %get3A_519 = tpu.vector_load %arg10[%get3A_517, %get3A_518] {strides = array<i32>} : memref<40x32xi32, #tpu.memory_space<vmem>>, vector<1x16xi32>,
        %get3A_520 = vector.shape_cast %get3A_519 : vector<1x16xi32> to vector<16xi32>
        %eq3A_521 = arith.cmpi eq, %get3A_516, %get3A_520 : vector<16xi32>
        %broadcast_in_dim3A_522 = vector.broadcast %add3A_6 : i32 to vector<16xi32>
        %select_n3A_523 = arith.select %eq3A_521, %broadcast_in_dim3A_522, %get3A_520 : vector<16xi1>, vector<16xi32>
        %swap3A_524 = arith.constant 3 : i32
        %swap3A_525 = arith.index_cast %swap3A_524 : i32 to index
        %swap3A_526 = arith.constant 0 : index
        %swap3A_527 = tpu.vector_load %arg11[%swap3A_525, %swap3A_526] {strides = array<i32>} : memref<4x32xi32, #tpu.memory_space<vmem>>, vector<1x16xi32>,
        %swap3A_528 = vector.shape_cast %swap3A_527 : vector<1x16xi32> to vector<16xi32>
        %swap3A_529 = vector.shape_cast %select_n3A_523 : vector<16xi32> to vector<1x16xi32>
        tpu.vector_store %arg11[%swap3A_525, %swap3A_526], %swap3A_529 {strides = array<i32>} : memref<4x32xi32, #tpu.memory_space<vmem>>, vector<1x16xi32>,
        %broadcast_in_dim3A_530 = vector.broadcast %add3A_6 : i32 to vector<16xi32>
        %select_n3A_531 = arith.select %eq3A_521, %broadcast_in_dim3A_530, %get3A_516 : vector<16xi1>, vector<16xi32>
        %swap3A_532 = arith.constant 3 : i32
        %swap3A_533 = arith.index_cast %swap3A_532 : i32 to index
        %swap3A_534 = arith.constant 0 : index
        %swap3A_535 = tpu.vector_load %arg12[%swap3A_533, %swap3A_534] {strides = array<i32>} : memref<4x32xi32, #tpu.memory_space<vmem>>, vector<1x16xi32>,
        %swap3A_536 = vector.shape_cast %swap3A_535 : vector<1x16xi32> to vector<16xi32>
        %swap3A_537 = vector.shape_cast %select_n3A_531 : vector<16xi32> to vector<1x16xi32>
        tpu.vector_store %arg12[%swap3A_533, %swap3A_534], %swap3A_537 {strides = array<i32>} : memref<4x32xi32, #tpu.memory_space<vmem>>, vector<1x16xi32>,
        %get3A_538 = arith.index_cast %add3A_512 : i32 to index
        %get3A_539 = arith.constant 16 : index
        %get3A_540 = tpu.vector_load %arg9[%get3A_538, %get3A_539] {strides = array<i32>} : memref<40x32xi32, #tpu.memory_space<vmem>>, vector<1x16xi32>,
        %get3A_541 = vector.shape_cast %get3A_540 : vector<1x16xi32> to vector<16xi32>
        %get3A_542 = arith.index_cast %add3A_512 : i32 to index
        %get3A_543 = arith.constant 16 : index
        %get3A_544 = tpu.vector_load %arg10[%get3A_542, %get3A_543] {strides = array<i32>} : memref<40x32xi32, #tpu.memory_space<vmem>>, vector<1x16xi32>,
        %get3A_545 = vector.shape_cast %get3A_544 : vector<1x16xi32> to vector<16xi32>
        %eq3A_546 = arith.cmpi eq, %get3A_541, %get3A_545 : vector<16xi32>
        %broadcast_in_dim3A_547 = vector.broadcast %add3A_6 : i32 to vector<16xi32>
        %select_n3A_548 = arith.select %eq3A_546, %broadcast_in_dim3A_547, %get3A_545 : vector<16xi1>, vector<16xi32>
        %swap3A_549 = arith.constant 3 : i32
        %swap3A_550 = arith.index_cast %swap3A_549 : i32 to index
        %swap3A_551 = arith.constant 16 : index
        %swap3A_552 = tpu.vector_load %arg11[%swap3A_550, %swap3A_551] {strides = array<i32>} : memref<4x32xi32, #tpu.memory_space<vmem>>, vector<1x16xi32>,
        %swap3A_553 = vector.shape_cast %swap3A_552 : vector<1x16xi32> to vector<16xi32>
        %swap3A_554 = vector.shape_cast %select_n3A_548 : vector<16xi32> to vector<1x16xi32>
        tpu.vector_store %arg11[%swap3A_550, %swap3A_551], %swap3A_554 {strides = array<i32>} : memref<4x32xi32, #tpu.memory_space<vmem>>, vector<1x16xi32>,
        %broadcast_in_dim3A_555 = vector.broadcast %add3A_6 : i32 to vector<16xi32>
        %select_n3A_556 = arith.select %eq3A_546, %broadcast_in_dim3A_555, %get3A_541 : vector<16xi1>, vector<16xi32>
        %swap3A_557 = arith.constant 3 : i32
        %swap3A_558 = arith.index_cast %swap3A_557 : i32 to index
        %swap3A_559 = arith.constant 16 : index
        %swap3A_560 = tpu.vector_load %arg12[%swap3A_558, %swap3A_559] {strides = array<i32>} : memref<4x32xi32, #tpu.memory_space<vmem>>, vector<1x16xi32>,
        %swap3A_561 = vector.shape_cast %swap3A_560 : vector<1x16xi32> to vector<16xi32>
        %swap3A_562 = vector.shape_cast %select_n3A_556 : vector<16xi32> to vector<1x16xi32>
        tpu.vector_store %arg12[%swap3A_558, %swap3A_559], %swap3A_562 {strides = array<i32>} : memref<4x32xi32, #tpu.memory_space<vmem>>, vector<1x16xi32>,
        %dma_wait3A_563 = arith.constant 0 : i32
        %dma_wait3A_564 = tpu.memref_slice %arg9[%add3A_246, %dma_wait3A_563] : memref<40x32xi32, #tpu.memory_space<vmem>> -> memref<1x32xi32, #tpu.memory_space<vmem>>
        %dma_wait3A_565 = tpu.memref_squeeze %dma_wait3A_564 : memref<1x32xi32, #tpu.memory_space<vmem>> -> memref<32xi32, #tpu.memory_space<vmem>>
        %dma_wait3A_566 = arith.constant 0 : i32
        %dma_wait3A_567 = arith.constant 0 : i32
        %dma_wait3A_568 = tpu.memref_slice %arg2[%dma_wait3A_566, %dma_wait3A_567] : memref<10000x128xf32, #tpu.memory_space<hbm>> -> memref<10000x128xf32, #tpu.memory_space<hbm>>
        tpu.wait_indirect_dma semaphore(%arg21 : memref<!tpu.dma_semaphore, #tpu.memory_space<semaphore_mem>>) src(%dma_wait3A_568 : memref<10000x128xf32, #tpu.memory_space<hbm>>) dst(%arg13 : memref<32x128xf32, #tpu.memory_space<vmem>>)
        %dma_start3A_569 = arith.constant 0 : i32
        %dma_start3A_570 = arith.constant 0 : i32
        %dma_start3A_571 = tpu.memref_slice %arg11[%dma_start3A_569, %dma_start3A_570] : memref<4x32xi32, #tpu.memory_space<vmem>> -> memref<1x32xi32, #tpu.memory_space<vmem>>
        %dma_start3A_572 = tpu.memref_squeeze %dma_start3A_571 : memref<1x32xi32, #tpu.memory_space<vmem>> -> memref<32xi32, #tpu.memory_space<vmem>>
        %dma_start3A_573 = arith.constant 0 : i32
        %dma_start3A_574 = arith.constant 0 : i32
        %dma_start3A_575 = tpu.memref_slice %arg8[%dma_start3A_573, %dma_start3A_574] : memref<10112x128xf32, #tpu.memory_space<vmem_shared>> -> memref<10112x128xf32, #tpu.memory_space<vmem_shared>>
        tpu.enqueue_indirect_dma source(%arg13 : memref<32x128xf32, #tpu.memory_space<vmem>>) target(%dma_start3A_575 : memref<10112x128xf32, #tpu.memory_space<vmem_shared>>) offsets(%dma_start3A_572 : memref<32xi32, #tpu.memory_space<vmem>>) semaphore(%arg29 : memref<!tpu.dma_semaphore, #tpu.memory_space<semaphore_mem>>) {add = true}
        %dma_wait3A_576 = arith.constant 0 : i32
        %dma_wait3A_577 = tpu.memref_slice %arg10[%add3A_261, %dma_wait3A_576] : memref<40x32xi32, #tpu.memory_space<vmem>> -> memref<1x32xi32, #tpu.memory_space<vmem>>
        %dma_wait3A_578 = tpu.memref_squeeze %dma_wait3A_577 : memref<1x32xi32, #tpu.memory_space<vmem>> -> memref<32xi32, #tpu.memory_space<vmem>>
        %dma_wait3A_579 = arith.constant 0 : i32
        %dma_wait3A_580 = arith.constant 0 : i32
        %dma_wait3A_581 = tpu.memref_slice %arg3[%dma_wait3A_579, %dma_wait3A_580] : memref<10000x128xf32, #tpu.memory_space<hbm>> -> memref<10000x128xf32, #tpu.memory_space<hbm>>
        tpu.wait_indirect_dma semaphore(%arg25 : memref<!tpu.dma_semaphore, #tpu.memory_space<semaphore_mem>>) src(%dma_wait3A_581 : memref<10000x128xf32, #tpu.memory_space<hbm>>) dst(%arg17 : memref<32x128xf32, #tpu.memory_space<vmem>>)
        %dma_start3A_582 = arith.constant 0 : i32
        %dma_start3A_583 = arith.constant 0 : i32
        %dma_start3A_584 = tpu.memref_slice %arg12[%dma_start3A_582, %dma_start3A_583] : memref<4x32xi32, #tpu.memory_space<vmem>> -> memref<1x32xi32, #tpu.memory_space<vmem>>
        %dma_start3A_585 = tpu.memref_squeeze %dma_start3A_584 : memref<1x32xi32, #tpu.memory_space<vmem>> -> memref<32xi32, #tpu.memory_space<vmem>>
        %dma_start3A_586 = arith.constant 0 : i32
        %dma_start3A_587 = arith.constant 0 : i32
        %dma_start3A_588 = tpu.memref_slice %arg8[%dma_start3A_586, %dma_start3A_587] : memref<10112x128xf32, #tpu.memory_space<vmem_shared>> -> memref<10112x128xf32, #tpu.memory_space<vmem_shared>>
        tpu.enqueue_indirect_dma source(%arg17 : memref<32x128xf32, #tpu.memory_space<vmem>>) target(%dma_start3A_588 : memref<10112x128xf32, #tpu.memory_space<vmem_shared>>) offsets(%dma_start3A_585 : memref<32xi32, #tpu.memory_space<vmem>>) semaphore(%arg33 : memref<!tpu.dma_semaphore, #tpu.memory_space<semaphore_mem>>) {add = true}
        %dma_wait3A_589 = arith.constant 0 : i32
        %dma_wait3A_590 = tpu.memref_slice %arg9[%add3A_325, %dma_wait3A_589] : memref<40x32xi32, #tpu.memory_space<vmem>> -> memref<1x32xi32, #tpu.memory_space<vmem>>
        %dma_wait3A_591 = tpu.memref_squeeze %dma_wait3A_590 : memref<1x32xi32, #tpu.memory_space<vmem>> -> memref<32xi32, #tpu.memory_space<vmem>>
        %dma_wait3A_592 = arith.constant 0 : i32
        %dma_wait3A_593 = arith.constant 0 : i32
        %dma_wait3A_594 = tpu.memref_slice %arg2[%dma_wait3A_592, %dma_wait3A_593] : memref<10000x128xf32, #tpu.memory_space<hbm>> -> memref<10000x128xf32, #tpu.memory_space<hbm>>
        tpu.wait_indirect_dma semaphore(%arg22 : memref<!tpu.dma_semaphore, #tpu.memory_space<semaphore_mem>>) src(%dma_wait3A_594 : memref<10000x128xf32, #tpu.memory_space<hbm>>) dst(%arg14 : memref<32x128xf32, #tpu.memory_space<vmem>>)
        %dma_start3A_595 = arith.constant 1 : i32
        %dma_start3A_596 = arith.constant 0 : i32
        %dma_start3A_597 = tpu.memref_slice %arg11[%dma_start3A_595, %dma_start3A_596] : memref<4x32xi32, #tpu.memory_space<vmem>> -> memref<1x32xi32, #tpu.memory_space<vmem>>
        %dma_start3A_598 = tpu.memref_squeeze %dma_start3A_597 : memref<1x32xi32, #tpu.memory_space<vmem>> -> memref<32xi32, #tpu.memory_space<vmem>>
        %dma_start3A_599 = arith.constant 0 : i32
        %dma_start3A_600 = arith.constant 0 : i32
        %dma_start3A_601 = tpu.memref_slice %arg8[%dma_start3A_599, %dma_start3A_600] : memref<10112x128xf32, #tpu.memory_space<vmem_shared>> -> memref<10112x128xf32, #tpu.memory_space<vmem_shared>>
        tpu.enqueue_indirect_dma source(%arg14 : memref<32x128xf32, #tpu.memory_space<vmem>>) target(%dma_start3A_601 : memref<10112x128xf32, #tpu.memory_space<vmem_shared>>) offsets(%dma_start3A_598 : memref<32xi32, #tpu.memory_space<vmem>>) semaphore(%arg30 : memref<!tpu.dma_semaphore, #tpu.memory_space<semaphore_mem>>) {add = true}
        %dma_wait3A_602 = arith.constant 0 : i32
        %dma_wait3A_603 = tpu.memref_slice %arg10[%add3A_340, %dma_wait3A_602] : memref<40x32xi32, #tpu.memory_space<vmem>> -> memref<1x32xi32, #tpu.memory_space<vmem>>
        %dma_wait3A_604 = tpu.memref_squeeze %dma_wait3A_603 : memref<1x32xi32, #tpu.memory_space<vmem>> -> memref<32xi32, #tpu.memory_space<vmem>>
        %dma_wait3A_605 = arith.constant 0 : i32
        %dma_wait3A_606 = arith.constant 0 : i32
        %dma_wait3A_607 = tpu.memref_slice %arg3[%dma_wait3A_605, %dma_wait3A_606] : memref<10000x128xf32, #tpu.memory_space<hbm>> -> memref<10000x128xf32, #tpu.memory_space<hbm>>
        tpu.wait_indirect_dma semaphore(%arg26 : memref<!tpu.dma_semaphore, #tpu.memory_space<semaphore_mem>>) src(%dma_wait3A_607 : memref<10000x128xf32, #tpu.memory_space<hbm>>) dst(%arg18 : memref<32x128xf32, #tpu.memory_space<vmem>>)
        %dma_start3A_608 = arith.constant 1 : i32
        %dma_start3A_609 = arith.constant 0 : i32
        %dma_start3A_610 = tpu.memref_slice %arg12[%dma_start3A_608, %dma_start3A_609] : memref<4x32xi32, #tpu.memory_space<vmem>> -> memref<1x32xi32, #tpu.memory_space<vmem>>
        %dma_start3A_611 = tpu.memref_squeeze %dma_start3A_610 : memref<1x32xi32, #tpu.memory_space<vmem>> -> memref<32xi32, #tpu.memory_space<vmem>>
        %dma_start3A_612 = arith.constant 0 : i32
        %dma_start3A_613 = arith.constant 0 : i32
        %dma_start3A_614 = tpu.memref_slice %arg8[%dma_start3A_612, %dma_start3A_613] : memref<10112x128xf32, #tpu.memory_space<vmem_shared>> -> memref<10112x128xf32, #tpu.memory_space<vmem_shared>>
        tpu.enqueue_indirect_dma source(%arg18 : memref<32x128xf32, #tpu.memory_space<vmem>>) target(%dma_start3A_614 : memref<10112x128xf32, #tpu.memory_space<vmem_shared>>) offsets(%dma_start3A_611 : memref<32xi32, #tpu.memory_space<vmem>>) semaphore(%arg34 : memref<!tpu.dma_semaphore, #tpu.memory_space<semaphore_mem>>) {add = true}
        %dma_wait3A_615 = arith.constant 0 : i32
        %dma_wait3A_616 = tpu.memref_slice %arg9[%add3A_407, %dma_wait3A_615] : memref<40x32xi32, #tpu.memory_space<vmem>> -> memref<1x32xi32, #tpu.memory_space<vmem>>
        %dma_wait3A_617 = tpu.memref_squeeze %dma_wait3A_616 : memref<1x32xi32, #tpu.memory_space<vmem>> -> memref<32xi32, #tpu.memory_space<vmem>>
        %dma_wait3A_618 = arith.constant 0 : i32
        %dma_wait3A_619 = arith.constant 0 : i32
        %dma_wait3A_620 = tpu.memref_slice %arg2[%dma_wait3A_618, %dma_wait3A_619] : memref<10000x128xf32, #tpu.memory_space<hbm>> -> memref<10000x128xf32, #tpu.memory_space<hbm>>
        tpu.wait_indirect_dma semaphore(%arg23 : memref<!tpu.dma_semaphore, #tpu.memory_space<semaphore_mem>>) src(%dma_wait3A_620 : memref<10000x128xf32, #tpu.memory_space<hbm>>) dst(%arg15 : memref<32x128xf32, #tpu.memory_space<vmem>>)
        %dma_start3A_621 = arith.constant 2 : i32
        %dma_start3A_622 = arith.constant 0 : i32
        %dma_start3A_623 = tpu.memref_slice %arg11[%dma_start3A_621, %dma_start3A_622] : memref<4x32xi32, #tpu.memory_space<vmem>> -> memref<1x32xi32, #tpu.memory_space<vmem>>
        %dma_start3A_624 = tpu.memref_squeeze %dma_start3A_623 : memref<1x32xi32, #tpu.memory_space<vmem>> -> memref<32xi32, #tpu.memory_space<vmem>>
        %dma_start3A_625 = arith.constant 0 : i32
        %dma_start3A_626 = arith.constant 0 : i32
        %dma_start3A_627 = tpu.memref_slice %arg8[%dma_start3A_625, %dma_start3A_626] : memref<10112x128xf32, #tpu.memory_space<vmem_shared>> -> memref<10112x128xf32, #tpu.memory_space<vmem_shared>>
        tpu.enqueue_indirect_dma source(%arg15 : memref<32x128xf32, #tpu.memory_space<vmem>>) target(%dma_start3A_627 : memref<10112x128xf32, #tpu.memory_space<vmem_shared>>) offsets(%dma_start3A_624 : memref<32xi32, #tpu.memory_space<vmem>>) semaphore(%arg31 : memref<!tpu.dma_semaphore, #tpu.memory_space<semaphore_mem>>) {add = true}
        %dma_wait3A_628 = arith.constant 0 : i32
        %dma_wait3A_629 = tpu.memref_slice %arg10[%add3A_422, %dma_wait3A_628] : memref<40x32xi32, #tpu.memory_space<vmem>> -> memref<1x32xi32, #tpu.memory_space<vmem>>
        %dma_wait3A_630 = tpu.memref_squeeze %dma_wait3A_629 : memref<1x32xi32, #tpu.memory_space<vmem>> -> memref<32xi32, #tpu.memory_space<vmem>>
        %dma_wait3A_631 = arith.constant 0 : i32
        %dma_wait3A_632 = arith.constant 0 : i32
        %dma_wait3A_633 = tpu.memref_slice %arg3[%dma_wait3A_631, %dma_wait3A_632] : memref<10000x128xf32, #tpu.memory_space<hbm>> -> memref<10000x128xf32, #tpu.memory_space<hbm>>
        tpu.wait_indirect_dma semaphore(%arg27 : memref<!tpu.dma_semaphore, #tpu.memory_space<semaphore_mem>>) src(%dma_wait3A_633 : memref<10000x128xf32, #tpu.memory_space<hbm>>) dst(%arg19 : memref<32x128xf32, #tpu.memory_space<vmem>>)
        %dma_start3A_634 = arith.constant 2 : i32
        %dma_start3A_635 = arith.constant 0 : i32
        %dma_start3A_636 = tpu.memref_slice %arg12[%dma_start3A_634, %dma_start3A_635] : memref<4x32xi32, #tpu.memory_space<vmem>> -> memref<1x32xi32, #tpu.memory_space<vmem>>
        %dma_start3A_637 = tpu.memref_squeeze %dma_start3A_636 : memref<1x32xi32, #tpu.memory_space<vmem>> -> memref<32xi32, #tpu.memory_space<vmem>>
        %dma_start3A_638 = arith.constant 0 : i32
        %dma_start3A_639 = arith.constant 0 : i32
        %dma_start3A_640 = tpu.memref_slice %arg8[%dma_start3A_638, %dma_start3A_639] : memref<10112x128xf32, #tpu.memory_space<vmem_shared>> -> memref<10112x128xf32, #tpu.memory_space<vmem_shared>>
        tpu.enqueue_indirect_dma source(%arg19 : memref<32x128xf32, #tpu.memory_space<vmem>>) target(%dma_start3A_640 : memref<10112x128xf32, #tpu.memory_space<vmem_shared>>) offsets(%dma_start3A_637 : memref<32xi32, #tpu.memory_space<vmem>>) semaphore(%arg35 : memref<!tpu.dma_semaphore, #tpu.memory_space<semaphore_mem>>) {add = true}
        %dma_wait3A_641 = arith.constant 0 : i32
        %dma_wait3A_642 = tpu.memref_slice %arg9[%add3A_489, %dma_wait3A_641] : memref<40x32xi32, #tpu.memory_space<vmem>> -> memref<1x32xi32, #tpu.memory_space<vmem>>
        %dma_wait3A_643 = tpu.memref_squeeze %dma_wait3A_642 : memref<1x32xi32, #tpu.memory_space<vmem>> -> memref<32xi32, #tpu.memory_space<vmem>>
        %dma_wait3A_644 = arith.constant 0 : i32
        %dma_wait3A_645 = arith.constant 0 : i32
        %dma_wait3A_646 = tpu.memref_slice %arg2[%dma_wait3A_644, %dma_wait3A_645] : memref<10000x128xf32, #tpu.memory_space<hbm>> -> memref<10000x128xf32, #tpu.memory_space<hbm>>
        tpu.wait_indirect_dma semaphore(%arg24 : memref<!tpu.dma_semaphore, #tpu.memory_space<semaphore_mem>>) src(%dma_wait3A_646 : memref<10000x128xf32, #tpu.memory_space<hbm>>) dst(%arg16 : memref<32x128xf32, #tpu.memory_space<vmem>>)
        %dma_start3A_647 = arith.constant 3 : i32
        %dma_start3A_648 = arith.constant 0 : i32
        %dma_start3A_649 = tpu.memref_slice %arg11[%dma_start3A_647, %dma_start3A_648] : memref<4x32xi32, #tpu.memory_space<vmem>> -> memref<1x32xi32, #tpu.memory_space<vmem>>
        %dma_start3A_650 = tpu.memref_squeeze %dma_start3A_649 : memref<1x32xi32, #tpu.memory_space<vmem>> -> memref<32xi32, #tpu.memory_space<vmem>>
        %dma_start3A_651 = arith.constant 0 : i32
        %dma_start3A_652 = arith.constant 0 : i32
        %dma_start3A_653 = tpu.memref_slice %arg8[%dma_start3A_651, %dma_start3A_652] : memref<10112x128xf32, #tpu.memory_space<vmem_shared>> -> memref<10112x128xf32, #tpu.memory_space<vmem_shared>>
        tpu.enqueue_indirect_dma source(%arg16 : memref<32x128xf32, #tpu.memory_space<vmem>>) target(%dma_start3A_653 : memref<10112x128xf32, #tpu.memory_space<vmem_shared>>) offsets(%dma_start3A_650 : memref<32xi32, #tpu.memory_space<vmem>>) semaphore(%arg32 : memref<!tpu.dma_semaphore, #tpu.memory_space<semaphore_mem>>) {add = true}
        %dma_wait3A_654 = arith.constant 0 : i32
        %dma_wait3A_655 = tpu.memref_slice %arg10[%add3A_504, %dma_wait3A_654] : memref<40x32xi32, #tpu.memory_space<vmem>> -> memref<1x32xi32, #tpu.memory_space<vmem>>
        %dma_wait3A_656 = tpu.memref_squeeze %dma_wait3A_655 : memref<1x32xi32, #tpu.memory_space<vmem>> -> memref<32xi32, #tpu.memory_space<vmem>>
        %dma_wait3A_657 = arith.constant 0 : i32
        %dma_wait3A_658 = arith.constant 0 : i32
        %dma_wait3A_659 = tpu.memref_slice %arg3[%dma_wait3A_657, %dma_wait3A_658] : memref<10000x128xf32, #tpu.memory_space<hbm>> -> memref<10000x128xf32, #tpu.memory_space<hbm>>
        tpu.wait_indirect_dma semaphore(%arg28 : memref<!tpu.dma_semaphore, #tpu.memory_space<semaphore_mem>>) src(%dma_wait3A_659 : memref<10000x128xf32, #tpu.memory_space<hbm>>) dst(%arg20 : memref<32x128xf32, #tpu.memory_space<vmem>>)
        %dma_start3A_660 = arith.constant 3 : i32
        %dma_start3A_661 = arith.constant 0 : i32
        %dma_start3A_662 = tpu.memref_slice %arg12[%dma_start3A_660, %dma_start3A_661] : memref<4x32xi32, #tpu.memory_space<vmem>> -> memref<1x32xi32, #tpu.memory_space<vmem>>
        %dma_start3A_663 = tpu.memref_squeeze %dma_start3A_662 : memref<1x32xi32, #tpu.memory_space<vmem>> -> memref<32xi32, #tpu.memory_space<vmem>>
        %dma_start3A_664 = arith.constant 0 : i32
        %dma_start3A_665 = arith.constant 0 : i32
        %dma_start3A_666 = tpu.memref_slice %arg8[%dma_start3A_664, %dma_start3A_665] : memref<10112x128xf32, #tpu.memory_space<vmem_shared>> -> memref<10112x128xf32, #tpu.memory_space<vmem_shared>>
        tpu.enqueue_indirect_dma source(%arg20 : memref<32x128xf32, #tpu.memory_space<vmem>>) target(%dma_start3A_666 : memref<10112x128xf32, #tpu.memory_space<vmem_shared>>) offsets(%dma_start3A_663 : memref<32xi32, #tpu.memory_space<vmem>>) semaphore(%arg36 : memref<!tpu.dma_semaphore, #tpu.memory_space<semaphore_mem>>) {add = true}
      }
      %scan3A_234 = arith.constant 10 : i32
    }
    %scan3A_164 = arith.constant 8 : i32
    %dma_wait3A = arith.constant 0 : i32
    %dma_wait3A_165 = arith.constant 0 : i32
    %dma_wait3A_166 = tpu.memref_slice %arg11[%dma_wait3A, %dma_wait3A_165] : memref<4x32xi32, #tpu.memory_space<vmem>> -> memref<1x32xi32, #tpu.memory_space<vmem>>
    %dma_wait3A_167 = tpu.memref_squeeze %dma_wait3A_166 : memref<1x32xi32, #tpu.memory_space<vmem>> -> memref<32xi32, #tpu.memory_space<vmem>>
    %dma_wait3A_168 = arith.constant 0 : i32
    %dma_wait3A_169 = arith.constant 0 : i32
    %dma_wait3A_170 = tpu.memref_slice %arg8[%dma_wait3A_168, %dma_wait3A_169] : memref<10112x128xf32, #tpu.memory_space<vmem_shared>> -> memref<10112x128xf32, #tpu.memory_space<vmem_shared>>
    tpu.wait_indirect_dma semaphore(%arg29 : memref<!tpu.dma_semaphore, #tpu.memory_space<semaphore_mem>>) src(%arg13 : memref<32x128xf32, #tpu.memory_space<vmem>>) dst(%dma_wait3A_170 : memref<10112x128xf32, #tpu.memory_space<vmem_shared>>)
    %dma_wait3A_171 = arith.constant 0 : i32
    %dma_wait3A_172 = arith.constant 0 : i32
    %dma_wait3A_173 = tpu.memref_slice %arg12[%dma_wait3A_171, %dma_wait3A_172] : memref<4x32xi32, #tpu.memory_space<vmem>> -> memref<1x32xi32, #tpu.memory_space<vmem>>
    %dma_wait3A_174 = tpu.memref_squeeze %dma_wait3A_173 : memref<1x32xi32, #tpu.memory_space<vmem>> -> memref<32xi32, #tpu.memory_space<vmem>>
    %dma_wait3A_175 = arith.constant 0 : i32
    %dma_wait3A_176 = arith.constant 0 : i32
    %dma_wait3A_177 = tpu.memref_slice %arg8[%dma_wait3A_175, %dma_wait3A_176] : memref<10112x128xf32, #tpu.memory_space<vmem_shared>> -> memref<10112x128xf32, #tpu.memory_space<vmem_shared>>
    tpu.wait_indirect_dma semaphore(%arg33 : memref<!tpu.dma_semaphore, #tpu.memory_space<semaphore_mem>>) src(%arg17 : memref<32x128xf32, #tpu.memory_space<vmem>>) dst(%dma_wait3A_177 : memref<10112x128xf32, #tpu.memory_space<vmem_shared>>)
    %dma_wait3A_178 = arith.constant 1 : i32
    %dma_wait3A_179 = arith.constant 0 : i32
    %dma_wait3A_180 = tpu.memref_slice %arg11[%dma_wait3A_178, %dma_wait3A_179] : memref<4x32xi32, #tpu.memory_space<vmem>> -> memref<1x32xi32, #tpu.memory_space<vmem>>
    %dma_wait3A_181 = tpu.memref_squeeze %dma_wait3A_180 : memref<1x32xi32, #tpu.memory_space<vmem>> -> memref<32xi32, #tpu.memory_space<vmem>>
    %dma_wait3A_182 = arith.constant 0 : i32
    %dma_wait3A_183 = arith.constant 0 : i32
    %dma_wait3A_184 = tpu.memref_slice %arg8[%dma_wait3A_182, %dma_wait3A_183] : memref<10112x128xf32, #tpu.memory_space<vmem_shared>> -> memref<10112x128xf32, #tpu.memory_space<vmem_shared>>
    tpu.wait_indirect_dma semaphore(%arg30 : memref<!tpu.dma_semaphore, #tpu.memory_space<semaphore_mem>>) src(%arg14 : memref<32x128xf32, #tpu.memory_space<vmem>>) dst(%dma_wait3A_184 : memref<10112x128xf32, #tpu.memory_space<vmem_shared>>)
    %dma_wait3A_185 = arith.constant 1 : i32
    %dma_wait3A_186 = arith.constant 0 : i32
    %dma_wait3A_187 = tpu.memref_slice %arg12[%dma_wait3A_185, %dma_wait3A_186] : memref<4x32xi32, #tpu.memory_space<vmem>> -> memref<1x32xi32, #tpu.memory_space<vmem>>
    %dma_wait3A_188 = tpu.memref_squeeze %dma_wait3A_187 : memref<1x32xi32, #tpu.memory_space<vmem>> -> memref<32xi32, #tpu.memory_space<vmem>>
    %dma_wait3A_189 = arith.constant 0 : i32
    %dma_wait3A_190 = arith.constant 0 : i32
    %dma_wait3A_191 = tpu.memref_slice %arg8[%dma_wait3A_189, %dma_wait3A_190] : memref<10112x128xf32, #tpu.memory_space<vmem_shared>> -> memref<10112x128xf32, #tpu.memory_space<vmem_shared>>
    tpu.wait_indirect_dma semaphore(%arg34 : memref<!tpu.dma_semaphore, #tpu.memory_space<semaphore_mem>>) src(%arg18 : memref<32x128xf32, #tpu.memory_space<vmem>>) dst(%dma_wait3A_191 : memref<10112x128xf32, #tpu.memory_space<vmem_shared>>)
    %dma_wait3A_192 = arith.constant 2 : i32
    %dma_wait3A_193 = arith.constant 0 : i32
    %dma_wait3A_194 = tpu.memref_slice %arg11[%dma_wait3A_192, %dma_wait3A_193] : memref<4x32xi32, #tpu.memory_space<vmem>> -> memref<1x32xi32, #tpu.memory_space<vmem>>
    %dma_wait3A_195 = tpu.memref_squeeze %dma_wait3A_194 : memref<1x32xi32, #tpu.memory_space<vmem>> -> memref<32xi32, #tpu.memory_space<vmem>>
    %dma_wait3A_196 = arith.constant 0 : i32
    %dma_wait3A_197 = arith.constant 0 : i32
    %dma_wait3A_198 = tpu.memref_slice %arg8[%dma_wait3A_196, %dma_wait3A_197] : memref<10112x128xf32, #tpu.memory_space<vmem_shared>> -> memref<10112x128xf32, #tpu.memory_space<vmem_shared>>
    tpu.wait_indirect_dma semaphore(%arg31 : memref<!tpu.dma_semaphore, #tpu.memory_space<semaphore_mem>>) src(%arg15 : memref<32x128xf32, #tpu.memory_space<vmem>>) dst(%dma_wait3A_198 : memref<10112x128xf32, #tpu.memory_space<vmem_shared>>)
    %dma_wait3A_199 = arith.constant 2 : i32
    %dma_wait3A_200 = arith.constant 0 : i32
    %dma_wait3A_201 = tpu.memref_slice %arg12[%dma_wait3A_199, %dma_wait3A_200] : memref<4x32xi32, #tpu.memory_space<vmem>> -> memref<1x32xi32, #tpu.memory_space<vmem>>
    %dma_wait3A_202 = tpu.memref_squeeze %dma_wait3A_201 : memref<1x32xi32, #tpu.memory_space<vmem>> -> memref<32xi32, #tpu.memory_space<vmem>>
    %dma_wait3A_203 = arith.constant 0 : i32
    %dma_wait3A_204 = arith.constant 0 : i32
    %dma_wait3A_205 = tpu.memref_slice %arg8[%dma_wait3A_203, %dma_wait3A_204] : memref<10112x128xf32, #tpu.memory_space<vmem_shared>> -> memref<10112x128xf32, #tpu.memory_space<vmem_shared>>
    tpu.wait_indirect_dma semaphore(%arg35 : memref<!tpu.dma_semaphore, #tpu.memory_space<semaphore_mem>>) src(%arg19 : memref<32x128xf32, #tpu.memory_space<vmem>>) dst(%dma_wait3A_205 : memref<10112x128xf32, #tpu.memory_space<vmem_shared>>)
    %dma_wait3A_206 = arith.constant 3 : i32
    %dma_wait3A_207 = arith.constant 0 : i32
    %dma_wait3A_208 = tpu.memref_slice %arg11[%dma_wait3A_206, %dma_wait3A_207] : memref<4x32xi32, #tpu.memory_space<vmem>> -> memref<1x32xi32, #tpu.memory_space<vmem>>
    %dma_wait3A_209 = tpu.memref_squeeze %dma_wait3A_208 : memref<1x32xi32, #tpu.memory_space<vmem>> -> memref<32xi32, #tpu.memory_space<vmem>>
    %dma_wait3A_210 = arith.constant 0 : i32
    %dma_wait3A_211 = arith.constant 0 : i32
    %dma_wait3A_212 = tpu.memref_slice %arg8[%dma_wait3A_210, %dma_wait3A_211] : memref<10112x128xf32, #tpu.memory_space<vmem_shared>> -> memref<10112x128xf32, #tpu.memory_space<vmem_shared>>
    tpu.wait_indirect_dma semaphore(%arg32 : memref<!tpu.dma_semaphore, #tpu.memory_space<semaphore_mem>>) src(%arg16 : memref<32x128xf32, #tpu.memory_space<vmem>>) dst(%dma_wait3A_212 : memref<10112x128xf32, #tpu.memory_space<vmem_shared>>)
    %dma_wait3A_213 = arith.constant 3 : i32
    %dma_wait3A_214 = arith.constant 0 : i32
    %dma_wait3A_215 = tpu.memref_slice %arg12[%dma_wait3A_213, %dma_wait3A_214] : memref<4x32xi32, #tpu.memory_space<vmem>> -> memref<1x32xi32, #tpu.memory_space<vmem>>
    %dma_wait3A_216 = tpu.memref_squeeze %dma_wait3A_215 : memref<1x32xi32, #tpu.memory_space<vmem>> -> memref<32xi32, #tpu.memory_space<vmem>>
    %dma_wait3A_217 = arith.constant 0 : i32
    %dma_wait3A_218 = arith.constant 0 : i32
    %dma_wait3A_219 = tpu.memref_slice %arg8[%dma_wait3A_217, %dma_wait3A_218] : memref<10112x128xf32, #tpu.memory_space<vmem_shared>> -> memref<10112x128xf32, #tpu.memory_space<vmem_shared>>
    tpu.wait_indirect_dma semaphore(%arg36 : memref<!tpu.dma_semaphore, #tpu.memory_space<semaphore_mem>>) src(%arg20 : memref<32x128xf32, #tpu.memory_space<vmem>>) dst(%dma_wait3A_219 : memref<10112x128xf32, #tpu.memory_space<vmem_shared>>)
    %barrier3A_220 = arith.constant 0 : index
    tpu.barrier barrier_id(%barrier3A_220)
    %mul3A_221 = arith.constant 632 : i32
    %mul3A_222 = arith.muli %arg1, %mul3A_221 : i32
    %mul3A_223 = arith.constant 632 : i32
    %mul3A_224 = arith.muli %arg1, %mul3A_223 : i32
    "tpu.region"() ({
      %run_scoped3A = tpu.sem_alloc : memref<!tpu.dma_semaphore, #tpu.memory_space<semaphore_mem>>
      %dma_start3A_225 = arith.constant 0 : i32
      %dma_start3A_226 = tpu.memref_slice %arg7[%arg0, %mul3A_224, %dma_start3A_225] : memref<2x10112x128xf32, #tpu.memory_space<hbm>> -> memref<1x632x128xf32, #tpu.memory_space<hbm>>
      %dma_start3A_227 = tpu.memref_squeeze %dma_start3A_226 : memref<1x632x128xf32, #tpu.memory_space<hbm>> -> memref<632x128xf32, #tpu.memory_space<hbm>>
      %dma_start3A_228 = arith.constant 0 : i32
      %dma_start3A_229 = tpu.memref_slice %arg8[%mul3A_222, %dma_start3A_228] : memref<10112x128xf32, #tpu.memory_space<vmem_shared>> -> memref<632x128xf32, #tpu.memory_space<vmem_shared>>
      tpu.enqueue_dma source(%dma_start3A_229 : memref<632x128xf32, #tpu.memory_space<vmem_shared>>) target(%dma_start3A_227 : memref<632x128xf32, #tpu.memory_space<hbm>>) target_semaphore(%run_scoped3A : memref<!tpu.dma_semaphore, #tpu.memory_space<semaphore_mem>>)
      %dma_wait3A_230 = arith.constant 0 : i32
      %dma_wait3A_231 = tpu.memref_slice %arg7[%arg0, %mul3A_224, %dma_wait3A_230] : memref<2x10112x128xf32, #tpu.memory_space<hbm>> -> memref<1x632x128xf32, #tpu.memory_space<hbm>>
      %dma_wait3A_232 = tpu.memref_squeeze %dma_wait3A_231 : memref<1x632x128xf32, #tpu.memory_space<hbm>> -> memref<632x128xf32, #tpu.memory_space<hbm>>
      %dma_wait3A_233 = arith.constant 0 : i32
      %dma_wait3A_234 = tpu.memref_slice %arg8[%mul3A_222, %dma_wait3A_233] : memref<10112x128xf32, #tpu.memory_space<vmem_shared>> -> memref<632x128xf32, #tpu.memory_space<vmem_shared>>
      tpu.wait_dma2 semaphore(%run_scoped3A : memref<!tpu.dma_semaphore, #tpu.memory_space<semaphore_mem>>) src(%dma_wait3A_234 : memref<632x128xf32, #tpu.memory_space<vmem_shared>>) dst(%dma_wait3A_232 : memref<632x128xf32, #tpu.memory_space<hbm>>)
      tpu.yield
    }) : () -> ()
    return
  }
}

module attributes {stable_mosaic.version = 14 : i64} {
  func.func @_tc1_body(%arg0: i32, %arg1: memref<1000x128xf32, #tpu.memory_space<vmem>>, %arg2: memref<128x128xf32, #tpu.memory_space<vmem>>, %arg3: memref<128x128xf32, #tpu.memory_space<vmem>>, %arg4: memref<128x128xf32, #tpu.memory_space<vmem>>, %arg5: memref<128x128xf32, #tpu.memory_space<vmem>>, %arg6: memref<128x128xf32, #tpu.memory_space<vmem>>, %arg7: memref<128x128xf32, #tpu.memory_space<vmem>>, %arg8: memref<1x128xf32, #tpu.memory_space<vmem>>, %arg9: memref<1000x128xf32, #tpu.memory_space<vmem>>, %arg10: memref<1000x128xf32, #tpu.memory_space<vmem>>, %arg11: memref<1000x128xf32, #tpu.memory_space<vmem>>) attributes {dimension_semantics = [#tpu.dimension_semantics<arbitrary>], iteration_bounds = array<i64: 10>, scalar_prefetch = 0 : i64, scratch_operands = 0 : i64, tpu.core_type = #tpu.core_type<tc>, window_params = [{transform_indices = @transform_0, window_bounds = array<i64: 1000, 128>}, {pipeline_mode = #tpu.pipeline_mode<synchronous>, transform_indices = @transform_1, window_bounds = array<i64: 128, 128>}, {pipeline_mode = #tpu.pipeline_mode<synchronous>, transform_indices = @transform_2, window_bounds = array<i64: 128, 128>}, {pipeline_mode = #tpu.pipeline_mode<synchronous>, transform_indices = @transform_3, window_bounds = array<i64: 128, 128>}, {pipeline_mode = #tpu.pipeline_mode<synchronous>, transform_indices = @transform_4, window_bounds = array<i64: 128, 128>}, {pipeline_mode = #tpu.pipeline_mode<synchronous>, transform_indices = @transform_5, window_bounds = array<i64: 128, 128>}, {pipeline_mode = #tpu.pipeline_mode<synchronous>, transform_indices = @transform_6, window_bounds = array<i64: 128, 128>}, {pipeline_mode = #tpu.pipeline_mode<synchronous>, transform_indices = @transform_7, window_bounds = array<i64: 1, 128>}, {transform_indices = @transform_8, window_bounds = array<i64: 1000, 128>}, {transform_indices = @transform_9, window_bounds = array<i64: 1000, 128>}, {transform_indices = @transform_10, window_bounds = array<i64: 1000, 128>}]} {
    %get3A = arith.constant 0 : index
    %get3A_0 = arith.constant 0 : index
    %get3A_1 = vector.load %arg1[%get3A, %get3A_0] : memref<1000x128xf32, #tpu.memory_space<vmem>>, vector<1000x128xf32>
    %get3A_2 = arith.constant 0 : index
    %get3A_3 = arith.constant 0 : index
    %get3A_4 = vector.load %arg2[%get3A_2, %get3A_3] : memref<128x128xf32, #tpu.memory_space<vmem>>, vector<128x128xf32>
    %get3A_5 = arith.constant 0 : index
    %get3A_6 = arith.constant 0 : index
    %get3A_7 = vector.load %arg3[%get3A_5, %get3A_6] : memref<128x128xf32, #tpu.memory_space<vmem>>, vector<128x128xf32>
    %dot_general3A = arith.constant dense<0.000000e+00> : vector<128x128xf32>
    %dot_general3A_8 = tpu.matmul %get3A_4, %get3A_7, %dot_general3A {dimension_numbers = #tpu.dot_dimension_numbers<[1], [0], [0], [1], [0, 0, 1, 1], [], []>, transpose_lhs_hint = false} : vector<128x128xf32>, vector<128x128xf32>, vector<128x128xf32> -> vector<128x128xf32>
    %get3A_9 = arith.constant 0 : index
    %get3A_10 = arith.constant 0 : index
    %get3A_11 = vector.load %arg4[%get3A_9, %get3A_10] : memref<128x128xf32, #tpu.memory_space<vmem>>, vector<128x128xf32>
    %get3A_12 = arith.constant 0 : index
    %get3A_13 = arith.constant 0 : index
    %get3A_14 = vector.load %arg5[%get3A_12, %get3A_13] : memref<128x128xf32, #tpu.memory_space<vmem>>, vector<128x128xf32>
    %dot_general3A_15 = arith.constant dense<0.000000e+00> : vector<128x128xf32>
    %dot_general3A_16 = tpu.matmul %get3A_11, %get3A_14, %dot_general3A_15 {dimension_numbers = #tpu.dot_dimension_numbers<[1], [0], [0], [1], [0, 0, 1, 1], [], []>, transpose_lhs_hint = false} : vector<128x128xf32>, vector<128x128xf32>, vector<128x128xf32> -> vector<128x128xf32>
    %get3A_17 = arith.constant 0 : index
    %get3A_18 = arith.constant 0 : index
    %get3A_19 = vector.load %arg6[%get3A_17, %get3A_18] : memref<128x128xf32, #tpu.memory_space<vmem>>, vector<128x128xf32>
    %get3A_20 = arith.constant 0 : index
    %get3A_21 = arith.constant 0 : index
    %get3A_22 = vector.load %arg3[%get3A_20, %get3A_21] : memref<128x128xf32, #tpu.memory_space<vmem>>, vector<128x128xf32>
    %dot_general3A_23 = arith.constant dense<0.000000e+00> : vector<128x128xf32>
    %dot_general3A_24 = tpu.matmul %get3A_19, %get3A_22, %dot_general3A_23 {dimension_numbers = #tpu.dot_dimension_numbers<[1], [0], [0], [1], [0, 0, 1, 1], [], []>, transpose_lhs_hint = false} : vector<128x128xf32>, vector<128x128xf32>, vector<128x128xf32> -> vector<128x128xf32>
    %get3A_25 = arith.constant 0 : index
    %get3A_26 = arith.constant 0 : index
    %get3A_27 = vector.load %arg7[%get3A_25, %get3A_26] : memref<128x128xf32, #tpu.memory_space<vmem>>, vector<128x128xf32>
    %get3A_28 = arith.constant 0 : index
    %get3A_29 = arith.constant 0 : index
    %get3A_30 = vector.load %arg5[%get3A_28, %get3A_29] : memref<128x128xf32, #tpu.memory_space<vmem>>, vector<128x128xf32>
    %dot_general3A_31 = arith.constant dense<0.000000e+00> : vector<128x128xf32>
    %dot_general3A_32 = tpu.matmul %get3A_27, %get3A_30, %dot_general3A_31 {dimension_numbers = #tpu.dot_dimension_numbers<[1], [0], [0], [1], [0, 0, 1, 1], [], []>, transpose_lhs_hint = false} : vector<128x128xf32>, vector<128x128xf32>, vector<128x128xf32> -> vector<128x128xf32>
    %add3A = arith.addf %dot_general3A_24, %dot_general3A_32 : vector<128x128xf32>
    %dot_general3A_33 = arith.constant dense<0.000000e+00> : vector<1000x128xf32>
    %dot_general3A_34 = tpu.matmul %get3A_1, %dot_general3A_8, %dot_general3A_33 {dimension_numbers = #tpu.dot_dimension_numbers<[1], [0], [0], [1], [0, 0, 1, 1], [], []>, transpose_lhs_hint = false} : vector<1000x128xf32>, vector<128x128xf32>, vector<1000x128xf32> -> vector<1000x128xf32>
    %swap3A = arith.constant 0 : index
    %swap3A_35 = arith.constant 0 : index
    %swap3A_36 = vector.load %arg9[%swap3A, %swap3A_35] : memref<1000x128xf32, #tpu.memory_space<vmem>>, vector<1000x128xf32>
    tpu.vector_store %arg9[%swap3A, %swap3A_35], %dot_general3A_34 {strides = array<i32>} : memref<1000x128xf32, #tpu.memory_space<vmem>>, vector<1000x128xf32>,
    %dot_general3A_37 = arith.constant dense<0.000000e+00> : vector<1000x128xf32>
    %dot_general3A_38 = tpu.matmul %get3A_1, %dot_general3A_16, %dot_general3A_37 {dimension_numbers = #tpu.dot_dimension_numbers<[1], [0], [0], [1], [0, 0, 1, 1], [], []>, transpose_lhs_hint = false} : vector<1000x128xf32>, vector<128x128xf32>, vector<1000x128xf32> -> vector<1000x128xf32>
    %swap3A_39 = arith.constant 0 : index
    %swap3A_40 = arith.constant 0 : index
    %swap3A_41 = vector.load %arg10[%swap3A_39, %swap3A_40] : memref<1000x128xf32, #tpu.memory_space<vmem>>, vector<1000x128xf32>
    tpu.vector_store %arg10[%swap3A_39, %swap3A_40], %dot_general3A_38 {strides = array<i32>} : memref<1000x128xf32, #tpu.memory_space<vmem>>, vector<1000x128xf32>,
    %dot_general3A_42 = arith.constant dense<0.000000e+00> : vector<1000x128xf32>
    %dot_general3A_43 = tpu.matmul %get3A_1, %add3A, %dot_general3A_42 {dimension_numbers = #tpu.dot_dimension_numbers<[1], [0], [0], [1], [0, 0, 1, 1], [], []>, transpose_lhs_hint = false} : vector<1000x128xf32>, vector<128x128xf32>, vector<1000x128xf32> -> vector<1000x128xf32>
    %get3A_44 = arith.constant 0 : index
    %get3A_45 = arith.constant 0 : index
    %get3A_46 = vector.load %arg8[%get3A_44, %get3A_45] : memref<1x128xf32, #tpu.memory_space<vmem>>, vector<1x128xf32>
    %add3A_47 = vector.broadcast %get3A_46 : vector<1x128xf32> to vector<1000x128xf32>
    %add3A_48 = arith.addf %dot_general3A_43, %add3A_47 : vector<1000x128xf32>
    %swap3A_49 = arith.constant 0 : index
    %swap3A_50 = arith.constant 0 : index
    %swap3A_51 = vector.load %arg11[%swap3A_49, %swap3A_50] : memref<1000x128xf32, #tpu.memory_space<vmem>>, vector<1000x128xf32>
    tpu.vector_store %arg11[%swap3A_49, %swap3A_50], %add3A_48 {strides = array<i32>} : memref<1000x128xf32, #tpu.memory_space<vmem>>, vector<1000x128xf32>,
    return
  }
  func.func @transform_0(%arg0: i32) -> (i32, i32) {
    %c0_i32 = arith.constant 0 : i32
    %c0_i32_0 = arith.constant 0 : i32
    return %arg0, %c0_i32 : i32, i32
  }
  func.func @transform_1(%arg0: i32) -> (i32, i32) {
    %c0_i32 = arith.constant 0 : i32
    %c0_i32_0 = arith.constant 0 : i32
    %c0_i32_1 = arith.constant 0 : i32
    return %c0_i32, %c0_i32_0 : i32, i32
  }
  func.func @transform_2(%arg0: i32) -> (i32, i32) {
    %c0_i32 = arith.constant 0 : i32
    %c0_i32_0 = arith.constant 0 : i32
    %c0_i32_1 = arith.constant 0 : i32
    return %c0_i32, %c0_i32_0 : i32, i32
  }
  func.func @transform_3(%arg0: i32) -> (i32, i32) {
    %c0_i32 = arith.constant 0 : i32
    %c0_i32_0 = arith.constant 0 : i32
    %c0_i32_1 = arith.constant 0 : i32
    return %c0_i32, %c0_i32_0 : i32, i32
  }
  func.func @transform_4(%arg0: i32) -> (i32, i32) {
    %c0_i32 = arith.constant 0 : i32
    %c0_i32_0 = arith.constant 0 : i32
    %c0_i32_1 = arith.constant 0 : i32
    return %c0_i32, %c0_i32_0 : i32, i32
  }
  func.func @transform_5(%arg0: i32) -> (i32, i32) {
    %c0_i32 = arith.constant 0 : i32
    %c0_i32_0 = arith.constant 0 : i32
    %c0_i32_1 = arith.constant 0 : i32
    return %c0_i32, %c0_i32_0 : i32, i32
  }
  func.func @transform_6(%arg0: i32) -> (i32, i32) {
    %c0_i32 = arith.constant 0 : i32
    %c0_i32_0 = arith.constant 0 : i32
    %c0_i32_1 = arith.constant 0 : i32
    return %c0_i32, %c0_i32_0 : i32, i32
  }
  func.func @transform_7(%arg0: i32) -> (i32, i32) {
    %c0_i32 = arith.constant 0 : i32
    %c0_i32_0 = arith.constant 0 : i32
    %c0_i32_1 = arith.constant 0 : i32
    return %c0_i32, %c0_i32_0 : i32, i32
  }
  func.func @transform_8(%arg0: i32) -> (i32, i32) {
    %c0_i32 = arith.constant 0 : i32
    %c0_i32_0 = arith.constant 0 : i32
    return %arg0, %c0_i32 : i32, i32
  }
  func.func @transform_9(%arg0: i32) -> (i32, i32) {
    %c0_i32 = arith.constant 0 : i32
    %c0_i32_0 = arith.constant 0 : i32
    return %arg0, %c0_i32 : i32, i32
  }
  func.func @transform_10(%arg0: i32) -> (i32, i32) {
    %c0_i32 = arith.constant 0 : i32
    %c0_i32_0 = arith.constant 0 : i32
    return %arg0, %c0_i32 : i32, i32
  }
}

module attributes {stable_mosaic.version = 14 : i64} {
  func.func @_tc2_body(%arg0: i32, %arg1: memref<1000x128xf32, #tpu.memory_space<vmem>>, %arg2: memref<1x1000x128xf32, #tpu.memory_space<vmem>>, %arg3: memref<1x1000x128xf32, #tpu.memory_space<vmem>>, %arg4: memref<1000x128xf32, #tpu.memory_space<vmem>>) attributes {dimension_semantics = [#tpu.dimension_semantics<arbitrary>], iteration_bounds = array<i64: 10>, scalar_prefetch = 0 : i64, scratch_operands = 0 : i64, tpu.core_type = #tpu.core_type<tc>, window_params = [{transform_indices = @transform_0, window_bounds = array<i64: 1000, 128>}, {transform_indices = @transform_1, window_bounds = array<i64: 1, 1000, 128>}, {transform_indices = @transform_2, window_bounds = array<i64: 1, 1000, 128>}, {transform_indices = @transform_3, window_bounds = array<i64: 1000, 128>}]} {
    %get3A = arith.constant 0 : index
    %get3A_0 = arith.constant 0 : index
    %get3A_1 = vector.load %arg1[%get3A, %get3A_0] : memref<1000x128xf32, #tpu.memory_space<vmem>>, vector<1000x128xf32>
    %get3A_2 = arith.constant 0 : index
    %get3A_3 = arith.constant 0 : index
    %get3A_4 = arith.constant 0 : index
    %get3A_5 = vector.load %arg2[%get3A_2, %get3A_3, %get3A_4] : memref<1x1000x128xf32, #tpu.memory_space<vmem>>, vector<1x1000x128xf32>
    %get3A_6 = vector.shape_cast %get3A_5 : vector<1x1000x128xf32> to vector<1000x128xf32>
    %add3A = arith.addf %get3A_1, %get3A_6 : vector<1000x128xf32>
    %get3A_7 = arith.constant 0 : index
    %get3A_8 = arith.constant 0 : index
    %get3A_9 = arith.constant 0 : index
    %get3A_10 = vector.load %arg3[%get3A_7, %get3A_8, %get3A_9] : memref<1x1000x128xf32, #tpu.memory_space<vmem>>, vector<1x1000x128xf32>
    %get3A_11 = vector.shape_cast %get3A_10 : vector<1x1000x128xf32> to vector<1000x128xf32>
    %add3A_12 = arith.addf %add3A, %get3A_11 : vector<1000x128xf32>
    %swap3A = arith.constant 0 : index
    %swap3A_13 = arith.constant 0 : index
    %swap3A_14 = vector.load %arg4[%swap3A, %swap3A_13] : memref<1000x128xf32, #tpu.memory_space<vmem>>, vector<1000x128xf32>
    tpu.vector_store %arg4[%swap3A, %swap3A_13], %add3A_12 {strides = array<i32>} : memref<1000x128xf32, #tpu.memory_space<vmem>>, vector<1000x128xf32>,
    return
  }
  func.func @transform_0(%arg0: i32) -> (i32, i32) {
    %c0_i32 = arith.constant 0 : i32
    %c0_i32_0 = arith.constant 0 : i32
    return %arg0, %c0_i32 : i32, i32
  }
  func.func @transform_1(%arg0: i32) -> (i32, i32, i32) {
    %c0_i32 = arith.constant 0 : i32
    %c0_i32_0 = arith.constant 0 : i32
    %c0_i32_1 = arith.constant 0 : i32
    return %c0_i32, %arg0, %c0_i32_0 : i32, i32, i32
  }
  func.func @transform_2(%arg0: i32) -> (i32, i32, i32) {
    %c1_i32 = arith.constant 1 : i32
    %c0_i32 = arith.constant 0 : i32
    %c0_i32_0 = arith.constant 0 : i32
    return %c1_i32, %arg0, %c0_i32 : i32, i32, i32
  }
  func.func @transform_3(%arg0: i32) -> (i32, i32) {
    %c0_i32 = arith.constant 0 : i32
    %c0_i32_0 = arith.constant 0 : i32
    return %arg0, %c0_i32 : i32, i32
  }
}

</mosaic_0001>

<sc_bundles>
// kernel: kernel.5.cloned.1.call-start
scs
__scs_entry_jumppad:
0x0: {  	(pc) =	sbr.rel $0x88, $3  }
0x1: {  	(tag) =	ssettag $0x0;
	lr =	simm.s32 $0x1  }
0x2: {  	[smem:$0x3F97] =	sst lr;
	_ =	strace $0xD0000000  }
0x3: {  	_ = 	snop  }
0x4: {  	_ = 	snop  }
0x5: {  	_ = 	snop  }
0x6: {  	_ = 	snop  }
0x7: {  	_ = 	snop  }
__scs_overlays_trampoline_lowered:
0x8: {  	[smem:$0x3FA6] =	sst s0  }
0x9: {  	[smem:$0x3FA7] =	sst s1  }
0xa: {  	[smem:$0x3FA8] =	sst s2  }
0xb: {  	[smem:$0x3FA9] =	sst s3  }
0xc: {  	[smem:$0x3FAA] =	sst s4  }
0xd: {  	[smem:$0x3FAB] =	sst s5  }
0xe: {  	[smem:$0x3FAC] =	sst s6  }
0xf: {  	[smem:$0x3FAD] =	sst s7  }
0x10: {  	[smem:$0x3FAE] =	sst s8  }
0x11: {  	[smem:$0x3FAF] =	sst s9;
	s0 =	simm.s32 @!p0 $0x0  }
0x12: {  	s1 =	sld [smem:$0x3F95];
	s0 =	simm.s32 @p0 $0x1  }
0x13: {  	[smem:$0x3FB0] =	sst s0;
	s0 =	simm.s32 @!p1 $0x0  }
0x14: {  	s2 =	sld [smem:$0x3F94];
	s0 =	simm.s32 @p1 $0x1  }
0x15: {  	[smem:$0x3FB1] =	sst s0;
	s0 =	simm.s32 @!p2 $0x0  }
0x16: {  	s3 =	sld [smem:$0x3FDB];
	s0 =	simm.s32 @p2 $0x1  }
0x17: {  	s4 =	simm.s32 $0x1BF5;
	[smem:$0x3FB3] =	sst s0  }
0x18: {  	s0 =	sld [smem:$0x3F96];
	_ =	swait.ge [sflag:s4], $0x0  }
0x19: {  	s7 =	sld [smem:$0x3F97]  }
0x1a: {  	s8 =	sadd.s32 $0xFFFFE003, lr  }
0x1b: {  	s9 =	sadd.s32 $0xFFFFFEF7, lr;
	s5 =	simm.s32 $0xFFFFFFFF;
	p2 =	slt.u32 s8, $0xFFFFF086  }
0x1c: {  	p1 =	slt.u32 s9, $0xF7A;
	s5 =	simm.s32 @!p2 $0x0  }
0x1d: {  	s5 =	simm.s32 @p1 $0x1;
	p0 =	seq.s32 s7, s2  }
0x1e: {  	s7 =	smul.u32 @!p0 $0xF7A, s2;
	p2 =	seq.s32 @!p0 s5, $0x0  }
0x1f: {  	s9 =	smul.u32 $0xF7A, s1;
	s8 =	simm.s32 @!p0 $0x1BF5;
	p2 =	por !p2, p0  }
0x20: {  	[sflag:s8] =	ssyncset.s32 @!p0 $0xFFFFF086;
	s6 =	sadd.s32 @!p0 s3, s7;
	s7 =	simm.s32 @!p0 $0x108  }
0x21: {  	s3 =	sadd.s32 s3, s9;
	s6 =	sadd.s32 @!p0 $0x88, s6;
	s7 =	simm.s32 @p2 $0x1082  }
0x22: {  	[simem:s7], [sflag:s8] =	dma.local @!p0 [hbm:s6], $0xF7A  }
0x23: {  	s9 =	sor.u32 $0xD0000000, s2;
	s6 =	simm.s32 $0x108;
	_ =	swait.ge @!p0 [sflag:s8], $0x0  }
0x24: {  	s3 =	sadd.s32 $0x88, s3;
	s6 =	simm.s32 @!p1 $0x1082;
	[sflag:s4] =	ssyncset.s32 $0xFFFFF086  }
0x25: {  	[simem:s6], [sflag:s4] =	dma.local [hbm:s3], $0xF7A  }
0x26: {  	[smem:$0x3F97] =	sst s1;
	(tag) =	ssettag s2;
	_ =	strace s9  }
0x27: {  	s1 =	sld [smem:$0x3FA7]  }
0x28: {  	s2 =	sld [smem:$0x3FA8]  }
0x29: {  	s4 =	sld [smem:$0x3FAA]  }
0x2a: {  	p0 =	seq.s32 s5, $0x0;
	s5 =	sld [smem:$0x3FAB]  }
0x2b: {  	s6 =	sld [smem:$0x3FAC]  }
0x2c: {  	s7 =	sld [smem:$0x3FAD]  }
0x2d: {  	s3 =	simm.s32 $0x108;
	s8 =	sld [smem:$0x3FAE]  }
0x2e: {  	s3 =	simm.s32 @!p0 $0x1082;
	s9 =	sld [smem:$0x3FAF]  }
0x2f: {  	lr =	sadd.s32 s0, s3;
	s0 =	sld [smem:$0x3FA6]  }
0x30: {  	s3 =	sld [smem:$0x3FA9]  }
0x31: {  	[smem:$0x3FB2] =	sst s10  }
0x32: {  	s10 =	sld [smem:$0x3FB0];
	_ =	sdelay $0x3  }
0x33: {  	p0 =	seq.s32 s10, $0x1;
	s10 =	sld [smem:$0x3FB2];
	_ =	sdelay $0x3  }
0x34: {  	[smem:$0x3FB2] =	sst s10  }
0x35: {  	s10 =	sld [smem:$0x3FB1];
	_ =	sdelay $0x3  }
0x36: {  	p1 =	seq.s32 s10, $0x1;
	s10 =	sld [smem:$0x3FB2];
	_ =	sdelay $0x3  }
0x37: {  	[smem:$0x3FB2] =	sst s10  }
0x38: {  	s10 =	sld [smem:$0x3FB3]  }
0x39: {  	_ = 	snop;
	(pc) =	sbr.ind lr, $3  }
0x3a: {  	_ = 	snop  }
0x3b: {  	_ = 	snop  }
0x3c: {  	p2 =	seq.s32 s10, $0x1;
	s10 =	sld [smem:$0x3FB2]  }
0x3d: {  	_ =	shalt  }
0x3e: {  	_ =	shalt  }
0x3f: {  	_ =	shalt  }
0x40: {  	_ =	shalt  }
0x41: {  	_ =	shalt  }
0x42: {  	_ =	shalt  }
0x43: {  	_ =	shalt  }
0x44: {  	_ =	shalt  }
0x45: {  	_ =	shalt  }
0x46: {  	_ =	shalt  }
0x47: {  	_ =	shalt  }
0x48: {  	_ =	shalt  }
0x49: {  	_ =	shalt  }
0x4a: {  	_ =	shalt  }
0x4b: {  	_ =	shalt  }
0x4c: {  	_ =	shalt  }
0x4d: {  	_ =	shalt  }
0x4e: {  	_ =	shalt  }
0x4f: {  	_ =	shalt  }
0x50: {  	_ =	shalt  }
0x51: {  	_ =	shalt  }
0x52: {  	_ =	shalt  }
0x53: {  	_ =	shalt  }
0x54: {  	_ =	shalt  }
0x55: {  	_ =	shalt  }
0x56: {  	_ =	shalt  }
0x57: {  	_ =	shalt  }
0x58: {  	_ =	shalt  }
0x59: {  	_ =	shalt  }
0x5a: {  	_ =	shalt  }
0x5b: {  	_ =	shalt  }
0x5c: {  	_ =	shalt  }
0x5d: {  	_ =	shalt  }
0x5e: {  	_ =	shalt  }
0x5f: {  	_ =	shalt  }
0x60: {  	_ =	shalt  }
0x61: {  	_ =	shalt  }
0x62: {  	_ =	shalt  }
0x63: {  	_ =	shalt  }
0x64: {  	_ =	shalt  }
0x65: {  	_ =	shalt  }
0x66: {  	_ =	shalt  }
0x67: {  	_ =	shalt  }
0x68: {  	_ =	shalt  }
0x69: {  	_ =	shalt  }
0x6a: {  	_ =	shalt  }
0x6b: {  	_ =	shalt  }
0x6c: {  	_ =	shalt  }
0x6d: {  	_ =	shalt  }
0x6e: {  	_ =	shalt  }
0x6f: {  	_ =	shalt  }
0x70: {  	_ =	shalt  }
0x71: {  	_ =	shalt  }
0x72: {  	_ =	shalt  }
0x73: {  	_ =	shalt  }
0x74: {  	_ =	shalt  }
0x75: {  	_ =	shalt  }
0x76: {  	_ =	shalt  }
0x77: {  	_ =	shalt  }
0x78: {  	_ =	shalt  }
0x79: {  	_ =	shalt  }
0x7a: {  	_ =	shalt  }
0x7b: {  	_ =	shalt  }
0x7c: {  	_ =	shalt  }
0x7d: {  	_ =	shalt  }
0x7e: {  	_ =	shalt  }
0x7f: {  	_ =	shalt  }
0x80: {  	_ =	shalt  }
0x81: {  	_ =	shalt  }
0x82: {  	_ =	shalt  }
0x83: {  	_ =	shalt  }
0x84: {  	_ =	shalt  }
0x85: {  	_ =	shalt  }
0x86: {  	_ =	shalt  }
0x87: {  	_ =	shalt  }
.Lfunc_end0:
.L_simem_size_0:
called_computation_lowered:
.L_overlay_start_0:
0x88: {  	s2 =	sld [smem:$0x3FD9]  }
0x89: {  	s3 =	sld [smem:$0x3FFE];
	_ =	sdelay $0x1  }
0x8a: {  	s1 =	srdreg.scid  }
0x8b: {  	s0 =	sand.u32 $0x1, s1  }
0x8c: {  	s17 =	sshll.u32 s0, $0xA;
	s2 =	sadd.s32 s3, s2  }
0x8d: {  	s2 =	sadd.s32 s2, s17  }
0x8e: {  	[smem:$0x3FBE] =	sst s2  }
0x8f: {  	_ = 	snop  }
0x90: {  	s2 =	sld [smem:$0x3FD0];
	(tm) =	ssettm $0x1  }
0x91: {  	s18 =	sld [smem:$0x3FFB];
	_ =	sdelay $0x3  }
0x92: {  	_ =	strace s18  }
0x93: {  	s3 =	sld [smem:$0x3FFC];
	_ =	sdelay $0x3  }
0x94: {  	_ =	strace s3  }
0x95: {  	s3 =	sld [smem:$0x3FFD];
	_ =	sdelay $0x3  }
0x96: {  	_ =	strace s3  }
0x97: {  	_ =	strace $0x8FFFFFFF  }
0x98: {  	s19 =	sld [smem:$0x3FDB];
	_ =	sdelay $0x1  }
0x99: {  	s4 =	simm.s32 $_scs_section_size  }
0x9a: {  	s5 =	simm.s32 $_size__tile_overlayer_lowered;
	s6 =	simm.s32 $_tile_overlayer_lowered  }
0x9b: {  	s22 =	simm.s32 $0x1BFF;
	s21 =	sshll.u32 s6, $0x1;
	s3 =	sadd.s32 s4, s19  }
0x9c: {  	s7 =	simm.s32 $0x0;
	s20 =	sshll.u32 s5, $0x1;
	s5 =	sadd.s32 s21, s3  }
0x9d: {  	[timem:s7], [sflag:s22] =	dma.local [hbm:s5], s20  }
0x9e: {  	_ =	swait.ge [sflag:s22], s20  }
0x9f: {  	s4 =	ssub.s32 $0x0, s20;
	[sflag:s22] =	ssyncset.done $0x0  }
0xa0: {  	[sflag:s22] =	ssyncadd.s32 s4;
	_ =	sdelay $0x1  }
0xa1: {  	s23 =	simm.s32 $0x1B8B  }
0xa2: {  	_ =	swait.ge [sflag:s23], $0x1  }
0xa3: {  	[sflag:s23] =	ssyncset.done $0x0  }
0xa4: {  	s25 =	simm.s32 $0x1B8E;
	s24 =	sld [smem:$0x3FFE];
	[sflag:s23] =	ssyncadd.s32 $0xFFFFFFFF  }
0xa5: {  	s26 =	simm.s32 $execute0_lowered;
	[smem:$0x3FD2] =	sst s25  }
0xa6: {  	s5 =	sshll.u32 s26, $0x1;
	_ =	strace $0x80000046;
	[dreg:$0x1] =	wrdreg $0xFFFFFFFF  }
0xa7: {  	s28 =	simm.s32 $_size_execute0_lowered;
	s3 =	sadd.s32 s3, s5;
	[dreg:$0x0] =	wrdreg $0x0  }
0xa8: {  	s5 =	sshll.u32 s28, $0x1;
	[dreg:$0x2] =	wrdreg s3  }
0xa9: {  	[dreg:$0x3] =	wrdreg s5  }
0xaa: {  	[dreg:$0x4] =	wrdreg $0xC0  }
0xab: {  	_ =	task [dreg:s7], $0x5FFFF  }
0xac: {  	[dreg:$0x1] =	wrdreg $0xFFFFFFFF  }
0xad: {  	[dreg:$0x0] =	wrdreg $0x60  }
0xae: {  	[dreg:$0x2] =	wrdreg s2  }
0xaf: {  	[dreg:$0x3] =	wrdreg s24  }
0xb0: {  	[dreg:$0x4] =	wrdreg $0x0  }
0xb1: {  	[dreg:$0x5] =	wrdreg $0x9  }
0xb2: {  	_ =	task.clear_ibuf [dreg:s7], $0x6FFFF;
	_ =	strace $0x90000046  }
0xb3: {  	s29 =	simm.s32 $0x9;
	_ =	strace $0x80000048  }
0xb4: {  	_ =	swait.ge [sflag:s29], $0x1  }
0xb5: {  	[sflag:s29] =	ssyncadd.s32 $0xFFFFFFFF  }
0xb6: {  	_ =	strace $0x90000048  }
0xb7: {  	_ =	sfence  }
0xb8: {  	s30 =	sld [smem:$0x0];
	_ =	sdelay $0x2  }
0xb9: {  	s31 =	sshll.u32 s1, $0xD;
	s1 =	sshrl.u32 s1, $0x2  }
0xba: {  	s3 =	sand.u32 $0x4000, s31;
	s1 =	sadd.s32 s1, s30  }
0xbb: {  	s0 =	sor.u32 s3, s0;
	s1 =	sshll.u32 s1, $0x11  }
0xbc: {  	s0 =	sor.u32 s1, s0  }
0xbd: {  	s0 =	sadd.s32 $0x8F2B, s0  }
0xbe: {  	[sflag:s0] =	ssyncadd.remote.s32 $0x1  }
0xbf: {  	_ =	sfence.sel $0xFFFF  }
0xc0: {  	[dreg:$0x0] =	wrdreg $0xFFFFFFFF;
	(pc) =	sbr.abs _section_cstart, $3  }
0xc1: {  	[dreg:$0x1] =	wrdreg $0xFFFFFFFF  }
0xc2: {  	_ =	task.clear_ibuf [dreg:s7], $0x2FFFF;
	_ =	strace $0x9FFFFFFF  }
0xc3: {  	(tm) =	ssettm $0x7FFFFFFF  }
tec
execute0_lowered:
.L_overlay_start_1:
0x0: {  	(tag) =	ssettag $0x1  }
0x1: {  	s1 =	rddreg [dreg:$0x0]  }
0x2: {  	s0 =	rddreg [dreg:$0x1]  }
0x3: {  	s3 =	rddreg [dreg:$0x2];
	s17 =	simm.s32 $0x0;
	s10 =	stileid.u32  }
0x4: {  	s2 =	srdreg.scid;
	s15 =	simm.s32 $0x20;
	s19 =	simm.s32 $0x1A800  }
0x5: {  	s28 =	simm.s32 $0x1C800;
	s30 =	simm.s32 $0x19800;
	s11 =	simm.s32 $0x9  }
0x6: {  	s12 =	simm.s32 $0xD;
	s13 =	simm.s32 $0xE;
	s14 =	simm.s32 $0x2  }
0x7: {  	s16 =	simm.s32 $0x6;
	s18 =	simm.s32 $0x3;
	[smem:$0x7FF] =	sst s17  }
0x8: {  	s4 =	smul.u32 $0x13C00, s10;
	s2 =	sand.u32 $0x1, s2;
	s5 =	sadd.s32 $0x51800, s0  }
0x9: {  	s7 =	sadd.s32 $0x29800, s0;
	s8 =	sadd.s32 $0x1800, s0;
	s23 =	smul.u32 $0x4F000, s10  }
0xa: {  	s9 =	sshll.u32 s10, $0x1;
	s26 =	sshll.u32 s10, $0x6;
	s20 =	sor.u32 $0x2710, s10  }
0xb: {  	s10 =	simm.s32 $0x5;
	_ =	strace $0x80000047;
	[dreg:$0x5] =	wrdreg s7  }
0xc: {  	s6 =	smul.u32 $0x13C000, s2;
	[dreg:$0x6] =	wrdreg s8;
	s22 =	ssub.s32 $0x2, s2  }
0xd: {  	s2 =	sor.u32 s2, s9;
	s9 =	simm.s32 $0xA;
	s8 =	simm.s32 $0xC  }
0xe: {  	v0 =	vmov s20;
	s20 =	simm.s32 $0x7;
	s21 =	sshrl.u32 s4, $0x3;
	s24 =	sshrl.u32 s22, $0x1  }
0xf: {  	s25 =	sshrl.u32 s23, $0x2;
	s2 =	smul.u32 $0xA000, s2;
	s23 =	simm.s32 $0x1B800  }
0x10: {  	s7 =	sadd.s32 s21, s0;
	s4 =	sadd.s32 s4, s6;
	s6 =	sadd.s32 s25, s3  }
0x11: {  	s21 =	simm.s32 $0x17800;
	s25 =	simm.s32 $0x18800;
	s4 =	sshrl.u32 s4, $0x3  }
0x12: {  	s7 =	sadd.s32 $0x78A00, s7;
	[dreg:$0x9] =	wrdreg s2;
	s31 =	sshrl.u32 s6, $0x3  }
0x13: {  	s2 =	simm.s32 $0xF;
	s6 =	simm.s32 $0x10;
	s0 =	sadd.s32 s4, s0  }
0x14: {  	s4 =	ssub.s32 s22, s24;
	[dreg:$0x7] =	wrdreg s7;
	s7 =	sor.u32 $0x1C11, s26  }
0x15: {  	s26 =	simm.s32 $0x16780;
	s22 =	simm.s32 $0x4;
	[dreg:$0xc] =	wrdreg s31  }
0x16: {  	s24 =	simm.s32 $0x8;
	[dreg:$0x8] =	wrdreg s7;
	s0 =	sadd.s32 $0xA0200, s0  }
0x17: {  	s29 =	smax.u32 s4, $0x1;
	s4 =	simm.s32 $0xB;
	[dreg:$0xa] =	wrdreg s0  }
0x18: {  	s7 =	simm.s32 $0x1;
	[dreg:$0xb] =	wrdreg s29;
	s0 =	simm.s32 $0x1D800  }
.LBB2_1:
0x19: {  	[dreg:$0x4] =	wrdreg s17  }
0x1a: {  	s17 =	rddreg [dreg:$0x7]  }
0x1b: {  	s29 =	smov.u32 s31;
	s31 =	rddreg [dreg:$0x8]  }
0x1c: {  	[spmem:s29], [sflag:s31] =	dma.local [hbm:s17], $0x2780  }
0x1d: {  	s29 =	simm.s32 $0x11  }
0x1e: {  	_ =	swait.ge [sflag:s29], $0x2780  }
0x1f: {  	[sflag:s29] =	ssyncset.done $0x0  }
0x20: {  	[sflag:s29] =	ssyncadd.s32 $0xFFFFD880  }
0x21: {  	[bflag:$0x0] =	sbarrier.arrive $0xFFFF  }
0x22: {  	[tilespmem:$0x16400] =	vst v0  }
0x23: {  	[tilespmem:$0x16600] =	vst v0  }
0x24: {  	[tilespmem:$0x16410] =	vst v0  }
0x25: {  	[tilespmem:$0x16610] =	vst v0  }
0x26: {  	[tilespmem:$0x16480] =	vst v0  }
0x27: {  	[tilespmem:$0x16680] =	vst v0  }
0x28: {  	[tilespmem:$0x16490] =	vst v0  }
0x29: {  	[tilespmem:$0x16690] =	vst v0  }
0x2a: {  	[tilespmem:$0x16500] =	vst v0  }
0x2b: {  	[tilespmem:$0x16700] =	vst v0  }
0x2c: {  	[tilespmem:$0x16510] =	vst v0  }
0x2d: {  	[tilespmem:$0x16710] =	vst v0  }
0x2e: {  	[tilespmem:$0x16580] =	vst v0  }
0x2f: {  	[tilespmem:$0x16780] =	vst v0  }
0x30: {  	[tilespmem:$0x16590] =	vst v0  }
0x31: {  	s31 =	simm.s32 $0x16400;
	s29 =	simm.s32 $0x16800;
	[tilespmem:$0x16790] =	vst v0  }
0x32: {  	[spmem:s3] =	stream.indirect.scatter.add.f32 [tilespmem:s29], [sflag:$0x9], $0x80, s31, s15, $0xb8;
	[tilespmem:$0x1E800] =	vst v63  }
0x33: {  	s29 =	simm.s32 $0x16600  }
0x34: {  	[spmem:s3] =	stream.indirect.scatter.add.f32 [tilespmem:s19], [sflag:$0xD], $0x80, s29, s15, $0xb8;
	[tilespmem:$0x1E800] =	vst v63  }
0x35: {  	s29 =	simm.s32 $0x16480  }
0x36: {  	[spmem:s3] =	stream.indirect.scatter.add.f32 [tilespmem:s21], [sflag:$0xA], $0x80, s29, s15, $0xb8;
	[tilespmem:$0x1E800] =	vst v63  }
0x37: {  	s29 =	simm.s32 $0x16680  }
0x38: {  	[spmem:s3] =	stream.indirect.scatter.add.f32 [tilespmem:s23], [sflag:$0xE], $0x80, s29, s15, $0xb8;
	[tilespmem:$0x1E800] =	vst v63  }
0x39: {  	s29 =	simm.s32 $0x16500  }
0x3a: {  	[spmem:s3] =	stream.indirect.scatter.add.f32 [tilespmem:s25], [sflag:$0xB], $0x80, s29, s15, $0xb8;
	[tilespmem:$0x1E800] =	vst v63  }
0x3b: {  	s29 =	simm.s32 $0x16700  }
0x3c: {  	[spmem:s3] =	stream.indirect.scatter.add.f32 [tilespmem:s28], [sflag:$0xF], $0x80, s29, s15, $0xb8;
	[tilespmem:$0x1E800] =	vst v63  }
0x3d: {  	s29 =	simm.s32 $0x16580  }
0x3e: {  	[spmem:s3] =	stream.indirect.scatter.add.f32 [tilespmem:s30], [sflag:$0xC], $0x80, s29, s15, $0xb8;
	[tilespmem:$0x1E800] =	vst v63  }
0x3f: {  	s17 =	simm.s32 $0x0  }
0x40: {  	[spmem:s3] =	stream.indirect.scatter.add.f32 [tilespmem:s0], [sflag:$0x10], $0x80, s26, s15, $0xb8;
	[tilespmem:$0x1E800] =	vst v63  }
.LBB2_2:
0x41: {  	s26 =	smul.u32 $0x1400, s17  }
0x42: {  	s29 =	rddreg [dreg:$0x9]  }
0x43: {  	[dreg:$0xd] =	wrdreg s17;
	s26 =	sadd.s32 s29, s26  }
0x44: {  	s29 =	rddreg [dreg:$0x5];
	s26 =	sshrl.u32 s26, $0x3  }
0x45: {  	[dreg:$0xf] =	wrdreg s26;
	s17 =	sadd.s32 s29, s26  }
0x46: {  	[dreg:$0xe] =	wrdreg s17  }
0x47: {  	s29 =	simm.s32 $0x0;
	s17 =	simm.s32 $0x13C00;
	s26 =	rddreg [dreg:$0xe]  }
0x48: {  	[tilespmem:s17], [sflag:$0x11] =	stream.linear.gather [hbm4b:s26+s29], $0x1400, $0x38;
	[tilespmem:$0x1E800] =	vst v63  }
0x49: {  	s29 =	simm.s32 $0x11  }
0x4a: {  	_ =	swait.ge [sflag:s29], $0x1400  }
0x4b: {  	[sflag:s29] =	ssyncset.done $0x0;
	s26 =	rddreg [dreg:$0x6]  }
0x4c: {  	[sflag:s29] =	ssyncadd.s32 $0xFFFFEC00;
	s29 =	rddreg [dreg:$0xf]  }
0x4d: {  	s17 =	simm.s32 $0x15000;
	s26 =	sadd.s32 s26, s29;
	s29 =	simm.s32 $0x0  }
0x4e: {  	[tilespmem:s17], [sflag:$0x11] =	stream.linear.gather [hbm4b:s26+s29], $0x1400, $0x38;
	[tilespmem:$0x1E800] =	vst v63  }
0x4f: {  	s26 =	simm.s32 $0x11  }
0x50: {  	_ =	swait.ge [sflag:s26], $0x1400  }
0x51: {  	[sflag:s26] =	ssyncset.done $0x0  }
0x52: {  	[sflag:s26] =	ssyncadd.s32 $0xFFFFEC00  }
0x53: {  	_ =	swait.ge [sflag:s11], $0x1000  }
0x54: {  	[sflag:s11] =	ssyncset.done $0x0  }
0x55: {  	s29 =	simm.s32 $0x13C00;
	s17 =	simm.s32 $0x16800;
	[sflag:s11] =	ssyncadd.s32 $0xFFFFF000  }
0x56: {  	[tilespmem:s17], [sflag:$0x1] =	stream.indirect.gather [hbm4b:s1+s15], $0x80, s29, s15, $0xb8;
	[tilespmem:$0x1E800] =	vst v63  }
0x57: {  	_ =	swait.ge [sflag:s12], $0x1000  }
0x58: {  	[sflag:s12] =	ssyncset.done $0x0  }
0x59: {  	s26 =	simm.s32 $0x0;
	s29 =	simm.s32 $0x15000;
	[sflag:s12] =	ssyncadd.s32 $0xFFFFF000  }
0x5a: {  	[tilespmem:s19], [sflag:$0x5] =	stream.indirect.gather [hbm4b:s5+s15], $0x80, s29, s15, $0xb8;
	[tilespmem:$0x1E800] =	vst v63  }
0x5b: {  	v1 =	vld [tilespmem:s26+$0x13C00]  }
0x5c: {  	v2 =	vld [tilespmem:s26+$0x15000];
	_ =	sdelay $0x4  }
0x5d: {  	vm0 =	veq.s32 v1, v2  }
0x5e: {  	v2 =	vsel vm0, v0, v2  }
0x5f: {  	v1 =	vsel vm0, v0, v1;
	[tilespmem:$0x16400] =	vst v2  }
0x60: {  	[tilespmem:$0x16600] =	vst v1  }
0x61: {  	v1 =	vld [tilespmem:s26+$0x13C10]  }
0x62: {  	v2 =	vld [tilespmem:s26+$0x15010];
	_ =	sdelay $0x4  }
0x63: {  	vm9 =	veq.s32 v1, v2  }
0x64: {  	v2 =	vsel vm9, v0, v2  }
0x65: {  	v1 =	vsel vm9, v0, v1;
	[tilespmem:$0x16410] =	vst v2  }
0x66: {  	[tilespmem:$0x16610] =	vst v1  }
0x67: {  	_ =	swait.ge [sflag:s9], $0x1000  }
0x68: {  	[sflag:s9] =	ssyncset.done $0x0  }
0x69: {  	s29 =	simm.s32 $0x13C80;
	[sflag:s9] =	ssyncadd.s32 $0xFFFFF000  }
0x6a: {  	[tilespmem:s21], [sflag:$0x2] =	stream.indirect.gather [hbm4b:s1+s15], $0x80, s29, s15, $0xb8;
	[tilespmem:$0x1E800] =	vst v63  }
0x6b: {  	_ =	swait.ge [sflag:s13], $0x1000  }
0x6c: {  	[sflag:s13] =	ssyncset.done $0x0  }
0x6d: {  	s29 =	simm.s32 $0x15080;
	[sflag:s13] =	ssyncadd.s32 $0xFFFFF000  }
0x6e: {  	[tilespmem:s23], [sflag:$0x6] =	stream.indirect.gather [hbm4b:s5+s15], $0x80, s29, s15, $0xb8;
	[tilespmem:$0x1E800] =	vst v63  }
0x6f: {  	v1 =	vld [tilespmem:s26+$0x13C80]  }
0x70: {  	v2 =	vld [tilespmem:s26+$0x15080];
	_ =	sdelay $0x4  }
0x71: {  	vm10 =	veq.s32 v1, v2  }
0x72: {  	v2 =	vsel vm10, v0, v2  }
0x73: {  	v1 =	vsel vm10, v0, v1;
	[tilespmem:$0x16480] =	vst v2  }
0x74: {  	[tilespmem:$0x16680] =	vst v1  }
0x75: {  	v1 =	vld [tilespmem:s26+$0x13C90]  }
0x76: {  	v2 =	vld [tilespmem:s26+$0x15090];
	_ =	sdelay $0x4  }
0x77: {  	vm11 =	veq.s32 v1, v2  }
0x78: {  	v2 =	vsel vm11, v0, v2  }
0x79: {  	v1 =	vsel vm11, v0, v1;
	[tilespmem:$0x16490] =	vst v2  }
0x7a: {  	[tilespmem:$0x16690] =	vst v1  }
0x7b: {  	_ =	swait.ge [sflag:s4], $0x1000  }
0x7c: {  	[sflag:s4] =	ssyncset.done $0x0  }
0x7d: {  	s29 =	simm.s32 $0x13D00;
	[sflag:s4] =	ssyncadd.s32 $0xFFFFF000  }
0x7e: {  	[tilespmem:s25], [sflag:$0x3] =	stream.indirect.gather [hbm4b:s1+s15], $0x80, s29, s15, $0xb8;
	[tilespmem:$0x1E800] =	vst v63  }
0x7f: {  	_ =	swait.ge [sflag:s2], $0x1000  }
0x80: {  	[sflag:s2] =	ssyncset.done $0x0  }
0x81: {  	s29 =	simm.s32 $0x15100;
	[sflag:s2] =	ssyncadd.s32 $0xFFFFF000  }
0x82: {  	[tilespmem:s28], [sflag:$0x7] =	stream.indirect.gather [hbm4b:s5+s15], $0x80, s29, s15, $0xb8;
	[tilespmem:$0x1E800] =	vst v63  }
0x83: {  	v1 =	vld [tilespmem:s26+$0x13D00]  }
0x84: {  	v2 =	vld [tilespmem:s26+$0x15100];
	_ =	sdelay $0x4  }
0x85: {  	vm12 =	veq.s32 v1, v2  }
0x86: {  	v2 =	vsel vm12, v0, v2  }
0x87: {  	v1 =	vsel vm12, v0, v1;
	[tilespmem:$0x16500] =	vst v2  }
0x88: {  	[tilespmem:$0x16700] =	vst v1  }
0x89: {  	v1 =	vld [tilespmem:s26+$0x13D10]  }
0x8a: {  	v2 =	vld [tilespmem:s26+$0x15110];
	_ =	sdelay $0x4  }
0x8b: {  	vm13 =	veq.s32 v1, v2  }
0x8c: {  	v2 =	vsel vm13, v0, v2  }
0x8d: {  	v1 =	vsel vm13, v0, v1;
	[tilespmem:$0x16510] =	vst v2  }
0x8e: {  	[tilespmem:$0x16710] =	vst v1  }
0x8f: {  	_ =	swait.ge [sflag:s8], $0x1000  }
0x90: {  	[sflag:s8] =	ssyncset.done $0x0  }
0x91: {  	s29 =	simm.s32 $0x13D80;
	[sflag:s8] =	ssyncadd.s32 $0xFFFFF000  }
0x92: {  	[tilespmem:s30], [sflag:$0x4] =	stream.indirect.gather [hbm4b:s1+s15], $0x80, s29, s15, $0xb8;
	[tilespmem:$0x1E800] =	vst v63  }
0x93: {  	_ =	swait.ge [sflag:s6], $0x1000  }
0x94: {  	[sflag:s6] =	ssyncset.done $0x0  }
0x95: {  	s29 =	simm.s32 $0x15180;
	[sflag:s6] =	ssyncadd.s32 $0xFFFFF000  }
0x96: {  	[tilespmem:s0], [sflag:$0x8] =	stream.indirect.gather [hbm4b:s5+s15], $0x80, s29, s15, $0xb8;
	[tilespmem:$0x1E800] =	vst v63  }
0x97: {  	v1 =	vld [tilespmem:s26+$0x13D80]  }
0x98: {  	v2 =	vld [tilespmem:s26+$0x15180];
	_ =	sdelay $0x4  }
0x99: {  	vm14 =	veq.s32 v1, v2  }
0x9a: {  	v2 =	vsel vm14, v0, v2  }
0x9b: {  	v1 =	vsel vm14, v0, v1;
	[tilespmem:$0x16580] =	vst v2  }
0x9c: {  	[tilespmem:$0x16780] =	vst v1  }
0x9d: {  	v1 =	vld [tilespmem:s26+$0x13D90]  }
0x9e: {  	v2 =	vld [tilespmem:s26+$0x15190];
	_ =	sdelay $0x4  }
0x9f: {  	vm15 =	veq.s32 v1, v2  }
0xa0: {  	v2 =	vsel vm15, v0, v2  }
0xa1: {  	v1 =	vsel vm15, v0, v1;
	[tilespmem:$0x16590] =	vst v2  }
0xa2: {  	[tilespmem:$0x16790] =	vst v1  }
0xa3: {  	_ =	swait.ge [sflag:s7], $0x1000  }
0xa4: {  	[sflag:s7] =	ssyncset.done $0x0  }
0xa5: {  	[sflag:s7] =	ssyncadd.s32 $0xFFFFF000  }
0xa6: {  	[spmem:s3] =	stream.indirect.scatter.add.f32 [tilespmem:s17], [sflag:$0x9], $0x80, s31, s15, $0xb8;
	[tilespmem:$0x1E800] =	vst v63  }
0xa7: {  	_ =	swait.ge [sflag:s10], $0x1000  }
0xa8: {  	[sflag:s10] =	ssyncset.done $0x0  }
0xa9: {  	s29 =	simm.s32 $0x16600;
	[sflag:s10] =	ssyncadd.s32 $0xFFFFF000  }
0xaa: {  	[spmem:s3] =	stream.indirect.scatter.add.f32 [tilespmem:s19], [sflag:$0xD], $0x80, s29, s15, $0xb8;
	[tilespmem:$0x1E800] =	vst v63  }
0xab: {  	_ =	swait.ge [sflag:s14], $0x1000  }
0xac: {  	[sflag:s14] =	ssyncset.done $0x0  }
0xad: {  	s31 =	simm.s32 $0x16480;
	[sflag:s14] =	ssyncadd.s32 $0xFFFFF000  }
0xae: {  	[spmem:s3] =	stream.indirect.scatter.add.f32 [tilespmem:s21], [sflag:$0xA], $0x80, s31, s15, $0xb8;
	[tilespmem:$0x1E800] =	vst v63  }
0xaf: {  	_ =	swait.ge [sflag:s16], $0x1000  }
0xb0: {  	[sflag:s16] =	ssyncset.done $0x0  }
0xb1: {  	s26 =	simm.s32 $0x800;
	[sflag:s16] =	ssyncadd.s32 $0xFFFFF000  }
.LBB2_3:
0xb2: {  	s29 =	simm.s32 $0x16680  }
0xb3: {  	[spmem:s3] =	stream.indirect.scatter.add.f32 [tilespmem:s23], [sflag:$0xE], $0x80, s29, s15, $0xb8;
	[tilespmem:$0x1E800] =	vst v63  }
0xb4: {  	s29 =	smov.u32 s26  }
0xb5: {  	p0 =	sne.s32 s26, $0x4800;
	s26 =	sadd.s32 $0x800, s26;
	_ =	swait.ge [sflag:s18], $0x1000  }
0xb6: {  	[sflag:s18] =	ssyncset.done $0x0  }
0xb7: {  	s31 =	simm.s32 $0x16500;
	[sflag:s18] =	ssyncadd.s32 $0xFFFFF000  }
0xb8: {  	[spmem:s3] =	stream.indirect.scatter.add.f32 [tilespmem:s25], [sflag:$0xB], $0x80, s31, s15, $0xb8;
	[tilespmem:$0x1E800] =	vst v63  }
0xb9: {  	_ =	swait.ge [sflag:s20], $0x1000  }
0xba: {  	[sflag:s20] =	ssyncset.done $0x0  }
0xbb: {  	s31 =	simm.s32 $0x16700;
	[sflag:s20] =	ssyncadd.s32 $0xFFFFF000  }
0xbc: {  	[spmem:s3] =	stream.indirect.scatter.add.f32 [tilespmem:s28], [sflag:$0xF], $0x80, s31, s15, $0xb8;
	[tilespmem:$0x1E800] =	vst v63  }
0xbd: {  	_ =	swait.ge [sflag:s22], $0x1000  }
0xbe: {  	[sflag:s22] =	ssyncset.done $0x0  }
0xbf: {  	s31 =	simm.s32 $0x16580;
	[sflag:s22] =	ssyncadd.s32 $0xFFFFF000  }
0xc0: {  	[spmem:s3] =	stream.indirect.scatter.add.f32 [tilespmem:s30], [sflag:$0xC], $0x80, s31, s15, $0xb8;
	[tilespmem:$0x1E800] =	vst v63  }
0xc1: {  	_ =	swait.ge [sflag:s24], $0x1000  }
0xc2: {  	[sflag:s24] =	ssyncset.done $0x0  }
0xc3: {  	s31 =	simm.s32 $0x16780;
	[sflag:s24] =	ssyncadd.s32 $0xFFFFF000  }
0xc4: {  	[spmem:s3] =	stream.indirect.scatter.add.f32 [tilespmem:s0], [sflag:$0x10], $0x80, s31, s15, $0xb8;
	[tilespmem:$0x1E800] =	vst v63  }
0xc5: {  	_ =	swait.ge [sflag:s11], $0x1000  }
0xc6: {  	s29 =	sshra.s32 s29, $0x2;
	[sflag:s11] =	ssyncset.done $0x0  }
0xc7: {  	s31 =	sadd.s32 $0x13C00, s29;
	[sflag:s11] =	ssyncadd.s32 $0xFFFFF000  }
0xc8: {  	[tilespmem:s17], [sflag:$0x1] =	stream.indirect.gather [hbm4b:s1+s15], $0x80, s31, s15, $0xb8;
	[tilespmem:$0x1E800] =	vst v63  }
0xc9: {  	_ =	swait.ge [sflag:s12], $0x1000  }
0xca: {  	[sflag:s12] =	ssyncset.done $0x0  }
0xcb: {  	s31 =	sadd.s32 $0x15000, s29;
	[sflag:s12] =	ssyncadd.s32 $0xFFFFF000  }
0xcc: {  	[tilespmem:s19], [sflag:$0x5] =	stream.indirect.gather [hbm4b:s5+s15], $0x80, s31, s15, $0xb8;
	[tilespmem:$0x1E800] =	vst v63  }
0xcd: {  	v1 =	vld [tilespmem:s29+$0x13C00]  }
0xce: {  	v2 =	vld [tilespmem:s29+$0x15000];
	_ =	sdelay $0x4  }
0xcf: {  	vm0 =	veq.s32 v1, v2  }
0xd0: {  	v2 =	vsel vm0, v0, v2;
	v1 =	vsel vm0, v0, v1  }
0xd1: {  	[tilespmem:$0x16400] =	vst v2  }
0xd2: {  	[tilespmem:$0x16600] =	vst v1  }
0xd3: {  	v1 =	vld [tilespmem:s29+$0x13C10]  }
0xd4: {  	v2 =	vld [tilespmem:s29+$0x15010];
	_ =	sdelay $0x4  }
0xd5: {  	vm0 =	veq.s32 v1, v2  }
0xd6: {  	v2 =	vsel vm0, v0, v2;
	v1 =	vsel vm0, v0, v1  }
0xd7: {  	s31 =	sadd.s32 $0x13C80, s29;
	[tilespmem:$0x16410] =	vst v2  }
0xd8: {  	[tilespmem:$0x16610] =	vst v1  }
0xd9: {  	_ =	swait.ge [sflag:s9], $0x1000  }
0xda: {  	[sflag:s9] =	ssyncset.done $0x0  }
0xdb: {  	s17 =	sadd.s32 $0x15080, s29;
	[sflag:s9] =	ssyncadd.s32 $0xFFFFF000  }
0xdc: {  	[tilespmem:s21], [sflag:$0x2] =	stream.indirect.gather [hbm4b:s1+s15], $0x80, s31, s15, $0xb8;
	[tilespmem:$0x1E800] =	vst v63  }
0xdd: {  	_ =	swait.ge [sflag:s13], $0x1000  }
0xde: {  	[sflag:s13] =	ssyncset.done $0x0  }
0xdf: {  	[sflag:s13] =	ssyncadd.s32 $0xFFFFF000  }
0xe0: {  	[tilespmem:s23], [sflag:$0x6] =	stream.indirect.gather [hbm4b:s5+s15], $0x80, s17, s15, $0xb8;
	[tilespmem:$0x1E800] =	vst v63  }
0xe1: {  	v1 =	vld [tilespmem:s29+$0x13C80]  }
0xe2: {  	v2 =	vld [tilespmem:s29+$0x15080];
	_ =	sdelay $0x4  }
0xe3: {  	vm0 =	veq.s32 v1, v2  }
0xe4: {  	v2 =	vsel vm0, v0, v2;
	v1 =	vsel vm0, v0, v1  }
0xe5: {  	[tilespmem:$0x16480] =	vst v2  }
0xe6: {  	[tilespmem:$0x16680] =	vst v1  }
0xe7: {  	v1 =	vld [tilespmem:s29+$0x13C90]  }
0xe8: {  	v2 =	vld [tilespmem:s29+$0x15090];
	_ =	sdelay $0x2  }
0xe9: {  	s17 =	sadd.s32 $0x13D00, s29;
	_ =	sdelay $0x1  }
0xea: {  	vm0 =	veq.s32 v1, v2  }
0xeb: {  	v2 =	vsel vm0, v0, v2;
	v1 =	vsel vm0, v0, v1  }
0xec: {  	s31 =	sadd.s32 $0x15100, s29;
	[tilespmem:$0x16490] =	vst v2  }
0xed: {  	[tilespmem:$0x16690] =	vst v1  }
0xee: {  	_ =	swait.ge [sflag:s4], $0x1000  }
0xef: {  	[sflag:s4] =	ssyncset.done $0x0  }
0xf0: {  	[sflag:s4] =	ssyncadd.s32 $0xFFFFF000  }
0xf1: {  	[tilespmem:s25], [sflag:$0x3] =	stream.indirect.gather [hbm4b:s1+s15], $0x80, s17, s15, $0xb8;
	[tilespmem:$0x1E800] =	vst v63  }
0xf2: {  	_ =	swait.ge [sflag:s2], $0x1000  }
0xf3: {  	[sflag:s2] =	ssyncset.done $0x0  }
0xf4: {  	[sflag:s2] =	ssyncadd.s32 $0xFFFFF000  }
0xf5: {  	[tilespmem:s28], [sflag:$0x7] =	stream.indirect.gather [hbm4b:s5+s15], $0x80, s31, s15, $0xb8;
	[tilespmem:$0x1E800] =	vst v63  }
0xf6: {  	v1 =	vld [tilespmem:s29+$0x13D00]  }
0xf7: {  	v2 =	vld [tilespmem:s29+$0x15100];
	_ =	sdelay $0x4  }
0xf8: {  	vm0 =	veq.s32 v1, v2  }
0xf9: {  	v2 =	vsel vm0, v0, v2;
	v1 =	vsel vm0, v0, v1  }
0xfa: {  	[tilespmem:$0x16500] =	vst v2  }
0xfb: {  	[tilespmem:$0x16700] =	vst v1  }
0xfc: {  	s17 =	sadd.s32 $0x13D80, s29;
	v1 =	vld [tilespmem:s29+$0x13D10]  }
0xfd: {  	v2 =	vld [tilespmem:s29+$0x15110];
	_ =	sdelay $0x2  }
0xfe: {  	s31 =	sadd.s32 $0x15180, s29;
	_ =	sdelay $0x1  }
0xff: {  	vm0 =	veq.s32 v1, v2  }
0x100: {  	v2 =	vsel vm0, v0, v2;
	v1 =	vsel vm0, v0, v1  }
0x101: {  	[tilespmem:$0x16510] =	vst v2  }
0x102: {  	[tilespmem:$0x16710] =	vst v1  }
0x103: {  	_ =	swait.ge [sflag:s8], $0x1000  }
0x104: {  	[sflag:s8] =	ssyncset.done $0x0  }
0x105: {  	[sflag:s8] =	ssyncadd.s32 $0xFFFFF000  }
0x106: {  	[tilespmem:s30], [sflag:$0x4] =	stream.indirect.gather [hbm4b:s1+s15], $0x80, s17, s15, $0xb8;
	[tilespmem:$0x1E800] =	vst v63  }
0x107: {  	s17 =	simm.s32 $0x16800  }
0x108: {  	_ =	swait.ge [sflag:s6], $0x1000  }
0x109: {  	[sflag:s6] =	ssyncset.done $0x0  }
0x10a: {  	[sflag:s6] =	ssyncadd.s32 $0xFFFFF000  }
0x10b: {  	[tilespmem:s0], [sflag:$0x8] =	stream.indirect.gather [hbm4b:s5+s15], $0x80, s31, s15, $0xb8;
	[tilespmem:$0x1E800] =	vst v63  }
0x10c: {  	s31 =	simm.s32 $0x16400  }
0x10d: {  	v1 =	vld [tilespmem:s29+$0x13D80]  }
0x10e: {  	v2 =	vld [tilespmem:s29+$0x15180];
	_ =	sdelay $0x4  }
0x10f: {  	vm0 =	veq.s32 v1, v2  }
0x110: {  	v2 =	vsel vm0, v0, v2;
	v1 =	vsel vm0, v0, v1  }
0x111: {  	[tilespmem:$0x16580] =	vst v2  }
0x112: {  	[tilespmem:$0x16780] =	vst v1  }
0x113: {  	v1 =	vld [tilespmem:s29+$0x13D90]  }
0x114: {  	v2 =	vld [tilespmem:s29+$0x15190];
	_ =	sdelay $0x4  }
0x115: {  	vm0 =	veq.s32 v1, v2  }
0x116: {  	v2 =	vsel vm0, v0, v2;
	v1 =	vsel vm0, v0, v1  }
0x117: {  	[tilespmem:$0x16590] =	vst v2  }
0x118: {  	[tilespmem:$0x16790] =	vst v1  }
0x119: {  	_ =	swait.ge [sflag:s7], $0x1000  }
0x11a: {  	[sflag:s7] =	ssyncset.done $0x0  }
0x11b: {  	[sflag:s7] =	ssyncadd.s32 $0xFFFFF000  }
0x11c: {  	[spmem:s3] =	stream.indirect.scatter.add.f32 [tilespmem:s17], [sflag:$0x9], $0x80, s31, s15, $0xb8;
	[tilespmem:$0x1E800] =	vst v63  }
0x11d: {  	_ =	swait.ge [sflag:s10], $0x1000  }
0x11e: {  	[sflag:s10] =	ssyncset.done $0x0  }
0x11f: {  	s29 =	simm.s32 $0x16600;
	[sflag:s10] =	ssyncadd.s32 $0xFFFFF000  }
0x120: {  	[spmem:s3] =	stream.indirect.scatter.add.f32 [tilespmem:s19], [sflag:$0xD], $0x80, s29, s15, $0xb8;
	[tilespmem:$0x1E800] =	vst v63  }
0x121: {  	_ =	swait.ge [sflag:s14], $0x1000  }
0x122: {  	[sflag:s14] =	ssyncset.done $0x0  }
.Ltmp0:
0x123: {  	s29 =	simm.s32 $0x16480;
	[sflag:s14] =	ssyncadd.s32 $0xFFFFF000;
	(pc) =	sbr.rel @p0 .LBB2_3-.Ltmp0, $4  }
0x124: {  	[spmem:s3] =	stream.indirect.scatter.add.f32 [tilespmem:s21], [sflag:$0xA], $0x80, s29, s15, $0xb8;
	[tilespmem:$0x1E800] =	vst v63  }
0x125: {  	_ =	swait.ge [sflag:s16], $0x1000  }
0x126: {  	[sflag:s16] =	ssyncset.done $0x0  }
0x127: {  	[sflag:s16] =	ssyncadd.s32 $0xFFFFF000  }
0x128: {  	s17 =	simm.s32 $0x16680  }
0x129: {  	[spmem:s3] =	stream.indirect.scatter.add.f32 [tilespmem:s23], [sflag:$0xE], $0x80, s17, s15, $0xb8;
	[tilespmem:$0x1E800] =	vst v63  }
0x12a: {  	_ =	swait.ge [sflag:s18], $0x1000  }
0x12b: {  	[sflag:s18] =	ssyncset.done $0x0  }
0x12c: {  	s26 =	simm.s32 $0x16500;
	[sflag:s18] =	ssyncadd.s32 $0xFFFFF000  }
0x12d: {  	[spmem:s3] =	stream.indirect.scatter.add.f32 [tilespmem:s25], [sflag:$0xB], $0x80, s26, s15, $0xb8;
	[tilespmem:$0x1E800] =	vst v63  }
0x12e: {  	_ =	swait.ge [sflag:s20], $0x1000  }
0x12f: {  	[sflag:s20] =	ssyncset.done $0x0  }
0x130: {  	s29 =	simm.s32 $0x16700;
	[sflag:s20] =	ssyncadd.s32 $0xFFFFF000  }
0x131: {  	[spmem:s3] =	stream.indirect.scatter.add.f32 [tilespmem:s28], [sflag:$0xF], $0x80, s29, s15, $0xb8;
	[tilespmem:$0x1E800] =	vst v63  }
0x132: {  	_ =	swait.ge [sflag:s22], $0x1000  }
0x133: {  	[sflag:s22] =	ssyncset.done $0x0  }
0x134: {  	s26 =	simm.s32 $0x16580;
	[sflag:s22] =	ssyncadd.s32 $0xFFFFF000  }
0x135: {  	[spmem:s3] =	stream.indirect.scatter.add.f32 [tilespmem:s30], [sflag:$0xC], $0x80, s26, s15, $0xb8;
	[tilespmem:$0x1E800] =	vst v63  }
0x136: {  	_ =	swait.ge [sflag:s24], $0x1000  }
0x137: {  	[sflag:s24] =	ssyncset.done $0x0  }
0x138: {  	s29 =	simm.s32 $0x16780;
	[sflag:s24] =	ssyncadd.s32 $0xFFFFF000  }
0x139: {  	[spmem:s3] =	stream.indirect.scatter.add.f32 [tilespmem:s0], [sflag:$0x10], $0x80, s29, s15, $0xb8;
	[tilespmem:$0x1E800] =	vst v63  }
0x13a: {  	s29 =	rddreg [dreg:$0xd]  }
0x13b: {  	s17 =	sadd.s32 $0x1, s29  }
0x13c: {  	p0 =	sne.s32 s17, $0x8  }
.Ltmp1:
0x13d: {  	_ = 	snop;
	(pc) =	sbr.rel @p0 .LBB2_2-.Ltmp1, $2  }
0x13e: {  	_ =	sdelay $0x2  }
0x13f: {  	s26 =	simm.s32 $0x16780  }
0x140: {  	_ =	swait.ge [sflag:s11], $0x1000  }
0x141: {  	[sflag:s11] =	ssyncset.done $0x0  }
0x142: {  	[sflag:s11] =	ssyncadd.s32 $0xFFFFF000  }
0x143: {  	_ =	swait.ge [sflag:s12], $0x1000  }
0x144: {  	[sflag:s12] =	ssyncset.done $0x0  }
0x145: {  	[sflag:s12] =	ssyncadd.s32 $0xFFFFF000  }
0x146: {  	_ =	swait.ge [sflag:s9], $0x1000  }
0x147: {  	[sflag:s9] =	ssyncset.done $0x0  }
0x148: {  	[sflag:s9] =	ssyncadd.s32 $0xFFFFF000  }
0x149: {  	_ =	swait.ge [sflag:s13], $0x1000  }
0x14a: {  	[sflag:s13] =	ssyncset.done $0x0  }
0x14b: {  	[sflag:s13] =	ssyncadd.s32 $0xFFFFF000  }
0x14c: {  	_ =	swait.ge [sflag:s4], $0x1000  }
0x14d: {  	[sflag:s4] =	ssyncset.done $0x0  }
0x14e: {  	[sflag:s4] =	ssyncadd.s32 $0xFFFFF000  }
0x14f: {  	_ =	swait.ge [sflag:s2], $0x1000  }
0x150: {  	[sflag:s2] =	ssyncset.done $0x0  }
0x151: {  	[sflag:s2] =	ssyncadd.s32 $0xFFFFF000  }
0x152: {  	_ =	swait.ge [sflag:s8], $0x1000  }
0x153: {  	[sflag:s8] =	ssyncset.done $0x0  }
0x154: {  	[sflag:s8] =	ssyncadd.s32 $0xFFFFF000  }
0x155: {  	_ =	swait.ge [sflag:s6], $0x1000  }
0x156: {  	[sflag:s6] =	ssyncset.done $0x0  }
0x157: {  	[sflag:s6] =	ssyncadd.s32 $0xFFFFF000  }
0x158: {  	[bflag:$0x0] =	sbarrier.arrive $0xFFFF  }
0x159: {  	s29 =	rddreg [dreg:$0x8]  }
0x15a: {  	s17 =	rddreg [dreg:$0xa]  }
0x15b: {  	s31 =	rddreg [dreg:$0xc]  }
0x15c: {  	[hbm:s17], [sflag:s29] =	dma.local [spmem:s31], $0x2780  }
0x15d: {  	s29 =	simm.s32 $0x11  }
0x15e: {  	_ =	swait.ge [sflag:s29], $0x2780  }
0x15f: {  	s17 =	rddreg [dreg:$0x4]  }
0x160: {  	[sflag:s29] =	ssyncset.done $0x0;
	s29 =	rddreg [dreg:$0xb];
	s17 =	sadd.s32 $0x1, s17  }
0x161: {  	p0 =	sne.s32 s17, s29  }
.Ltmp2:
0x162: {  	_ = 	snop;
	(pc) =	sbr.rel @p0 .LBB2_1-.Ltmp2, $3  }
0x163: {  	_ =	sdelay $0x1  }
0x164: {  	s29 =	simm.s32 $0x11  }
0x165: {  	[sflag:s29] =	ssyncadd.s32 $0xFFFFD880  }
0x166: {  	_ =	sfence.sel $0x180000  }
0x167: {  	[bflag:$0x0] =	sbarrier.arrive $0xFFFF  }
0x168: {  	_ =	strace $0x90000047  }
0x169: {  	s0 =	stileid.u32;
	[bflag:$0x2] =	sbarrier.arrive $0xFFFF  }
0x16a: {  	p0 =	sne.s32 s0, $0x0;
	s0 =	rddreg [dreg:$0x3]  }
0x16b: {  	s0 =	sadd.s32 @!p0 $0x100000, s0  }
0x16c: {  	[sflag:s0] =	ssyncadd.tile.s32 @!p0 $0x1;
	_ =	shalt  }
.Lfunc_end2:
_tile_overlayer_lowered:
.L_overlay_start_2:
0x16d: {  	(tag) =	ssettag $0x2  }
0x16e: {  	s0 =	rddreg [dreg:$0x0];
	s2 =	stileid.u32  }
0x16f: {  	s1 =	rddreg [dreg:$0x1];
	p0 =	sne.s32 s2, $0x0  }
0x170: {  	s3 =	rddreg [dreg:$0x2];
	[bflag:$0x3] =	sbarrier.arrive $0xFFFF;
	s2 =	simm.s32 @!p0 $0x1C11  }
0x171: {  	[timem:s3], [sflag:s2] =	dma.local @!p0 [hbm:s0], s1  }
0x172: {  	s0 =	simm.s32 @!p0 $0x11  }
0x173: {  	_ =	swait.ge @!p0 [sflag:s0], s1  }
0x174: {  	s1 =	ssub.s32 @!p0 $0x0, s1;
	[sflag:s0] =	ssyncset.done @!p0 $0x0  }
0x175: {  	[sflag:s0] =	ssyncadd.s32 @!p0 s1  }
0x176: {  	[bflag:$0x3] =	sbarrier.arrive $0xFFFF  }
0x177: {  	_ =	shalt  }

</sc_bundles>
